<compile_context>
chip_gen: v7x
topology: tpu7x:2x2x1
jax: 0.10.2.dev20260603
libtpu: 0.0.44.dev20260713+nightly
codegen_flags: <defaults>
</compile_context>

<pallas_src>
import functools

import jax
import jax.numpy as jnp
from jax import lax
from jax.experimental import pallas as pl
from jax.experimental.pallas import tpu as pltpu
from jax.experimental.pallas import tpu_sc as plsc

M, K, D = 8, 8192, 256
N, H, W = 16, 32, 32

NC, NS = 2, 16
NW = NC * NS
LANES = 16

T = H * W
B = N * T * M
ROWS = B // 128
ROWS_PER_W = ROWS // NW
CHUNK = 128


def _sc_gather(table, codes2):
    mesh = plsc.VectorSubcoreMesh(
        core_axis_name="c", subcore_axis_name="s", num_cores=NC,
        num_subcores=NS)

    @functools.partial(
        pl.kernel,
        mesh=mesh,
        out_type=jax.ShapeDtypeStruct((B, D), jnp.float32),
        scratch_types=[
            pltpu.VMEM((ROWS_PER_W, 128), jnp.int32),
            pltpu.VMEM((CHUNK, D), jnp.float32),
            pltpu.SemaphoreType.DMA,
        ],
    )
    def k(table_hbm, codes_hbm, out_hbm, idx_v, rows_v, sem):
        wid = lax.axis_index("s") * NC + lax.axis_index("c")
        row0 = wid * ROWS_PER_W
        pltpu.sync_copy(codes_hbm.at[pl.ds(row0, ROWS_PER_W)], idx_v)

        mv = (lax.iota(jnp.int32, LANES) % M) * K

        def add_m(j, _):
            for c in range(128 // LANES):
                sl = pl.ds(c * LANES, LANES)
                idx_v[j, sl] = idx_v[j, sl] + mv
            return 0

        lax.fori_loop(0, ROWS_PER_W, add_m, 0)

        def gather_chunk(j, _):
            pltpu.async_copy(table_hbm.at[idx_v.at[j]], rows_v, sem).wait()
            pltpu.sync_copy(
                rows_v, out_hbm.at[pl.ds((row0 + j) * 128, CHUNK)])
            return 0

        lax.fori_loop(0, ROWS_PER_W, gather_chunk, 0)

    return k(table, codes2)


def _tc_transpose(g2):

    def body(in_ref, out_ref):
        out_ref[...] = in_ref[...].T

    return pl.pallas_call(
        body,
        grid=(N,),
        in_specs=[pl.BlockSpec((T, M * D), lambda n: (n, 0))],
        out_specs=pl.BlockSpec((M * D, T), lambda n: (n, 0)),
        out_shape=jax.ShapeDtypeStruct((N * M * D, T), jnp.float32),
    )(g2)


def kernel(codes, codebook):
    table = codebook.reshape(M * K, D)
    codes2 = codes.reshape(ROWS, 128)
    g = _sc_gather(table, codes2)
    out = _tc_transpose(g.reshape(N * T, M * D))
    return out.reshape(N, M * D, H, W)

# --- scband reference (transcript-rebuilt; emitter-appended) ---
"""Pipeline reference for scband-quantizer-decoder-75926431858866 (READ-ONLY COPY).

The authoritative reference and input builder live on the scoring server;
editing this copy changes nothing except your own understanding.
"""

import jax, jax.numpy as jnp
import numpy as np

M, K, D = 8, 8192, 256
N, H, W = 16, 32, 32


def setup_inputs(seed: int = 0) -> dict:
    key = jax.random.key(seed)
    k1, k2 = jax.random.split(key)
    codes = jax.random.randint(k1, (N, H, W, M), 0, K, dtype=jnp.int32)
    codebook = jax.random.normal(k2, (M, K, D), dtype=jnp.float32)
    return {"codes": codes, "codebook": codebook}


def reference(codes, codebook):
    # Faithful translation of QuantizerDecoder.decode:
    #   ix = arange(m) broadcast to codes' shape
    #   gathered = codebook[ix, codes] -> [n, h, w, m, d]
    #   reshape to [n, h, w, m*d], permute to [n, m*d, h, w]
    n, h, w, m = codes.shape
    ix = jnp.broadcast_to(jnp.arange(m, dtype=codes.dtype), codes.shape)
    gathered = codebook[ix, codes]  # advanced indexing gather -> [n, h, w, m, d]
    out = gathered.reshape(n, h, w, -1).transpose(0, 3, 1, 2)
    return out

if __name__ == "__main__":
    import jax
    _d = setup_inputs()
    print(jax.jit(kernel)(*tuple(_d.values())))

</pallas_src>

<mosaic_0001>
#map = affine_map<(d0, d1) -> (0, 0)>
module attributes {stable_mosaic.version = 14 : i64} {
  func.func @k(%arg0: i32, %arg1: i32, %arg2: memref<65536x256xf32, #tpu.memory_space<hbm>>, %arg3: memref<1024x128xi32, #tpu.memory_space<hbm>>, %arg4: memref<131072x256xf32, #tpu.memory_space<hbm>>, %arg5: memref<32x128xi32, #tpu.memory_space<vmem>>, %arg6: memref<128x256xf32, #tpu.memory_space<vmem>>, %arg7: memref<!tpu.dma_semaphore, #tpu.memory_space<semaphore_mem>>) attributes {dimension_semantics = [#tpu.dimension_semantics<core_parallel>, #tpu.dimension_semantics<subcore_parallel>], iteration_bounds = array<i64: 2, 16>, scalar_prefetch = 0 : i64, scratch_operands = 3 : i64, tpu.core_type = #tpu.core_type<sc_vector_subcore>, window_params = [{transform_indices = #map}, {transform_indices = #map}, {transform_indices = #map}]} {
    %mul3A = arith.constant 2 : i32
    %mul3A_0 = arith.muli %arg1, %mul3A : i32
    %add3A = arith.addi %mul3A_0, %arg0 : i32
    %mul3A_1 = arith.constant 32 : i32
    %mul3A_2 = arith.muli %add3A, %mul3A_1 : i32
    "tpu.region"() ({
      %run_scoped3A = tpu.sem_alloc : memref<!tpu.dma_semaphore, #tpu.memory_space<semaphore_mem>>
      %dma_start3A = arith.constant 0 : i32
      %dma_start3A_34 = tpu.memref_slice %arg3[%mul3A_2, %dma_start3A] : memref<1024x128xi32, #tpu.memory_space<hbm>> -> memref<32x128xi32, #tpu.memory_space<hbm>>
      %dma_start3A_35 = arith.constant 0 : i32
      %dma_start3A_36 = tpu.memref_slice %arg3[%mul3A_2, %dma_start3A_35] : memref<1024x128xi32, #tpu.memory_space<hbm>> -> memref<32x128xi32, #tpu.memory_space<hbm>>
      tpu.enqueue_dma source(%dma_start3A_36 : memref<32x128xi32, #tpu.memory_space<hbm>>) target(%arg5 : memref<32x128xi32, #tpu.memory_space<vmem>>) target_semaphore(%run_scoped3A : memref<!tpu.dma_semaphore, #tpu.memory_space<semaphore_mem>>)
      %dma_wait3A = arith.constant 0 : i32
      %dma_wait3A_37 = tpu.memref_slice %arg3[%mul3A_2, %dma_wait3A] : memref<1024x128xi32, #tpu.memory_space<hbm>> -> memref<32x128xi32, #tpu.memory_space<hbm>>
      %dma_wait3A_38 = arith.constant 0 : i32
      %dma_wait3A_39 = tpu.memref_slice %arg3[%mul3A_2, %dma_wait3A_38] : memref<1024x128xi32, #tpu.memory_space<hbm>> -> memref<32x128xi32, #tpu.memory_space<hbm>>
      tpu.wait_dma2 semaphore(%run_scoped3A : memref<!tpu.dma_semaphore, #tpu.memory_space<semaphore_mem>>) src(%dma_wait3A_39 : memref<32x128xi32, #tpu.memory_space<hbm>>) dst(%arg5 : memref<32x128xi32, #tpu.memory_space<vmem>>)
      tpu.yield
    }) : () -> ()
    %iota3A = tpu.iota {dimensions = array<i32: 0>} : vector<16xi32>
    %jit3A = arith.constant 8 : i32
    %eq3A = arith.constant 0 : i32
    %eq3A_3 = arith.cmpi eq, %jit3A, %eq3A : i32
    %jit3A_4 = arith.constant 1 : i32
    %select_n3A = arith.select %eq3A_3, %jit3A_4, %jit3A : i32
    %rem3A = vector.broadcast %select_n3A : i32 to vector<16xi32>
    %rem3A_5 = arith.remsi %iota3A, %rem3A : vector<16xi32>
    %ne3A = arith.constant 0 : i32
    %ne3A_6 = vector.broadcast %ne3A : i32 to vector<16xi32>
    %ne3A_7 = arith.cmpi ne, %rem3A_5, %ne3A_6 : vector<16xi32>
    %lt3A = arith.constant 0 : i32
    %lt3A_8 = vector.broadcast %lt3A : i32 to vector<16xi32>
    %lt3A_9 = arith.cmpi slt, %rem3A_5, %lt3A_8 : vector<16xi32>
    %lt3A_10 = arith.constant 0 : i32
    %lt3A_11 = arith.cmpi slt, %select_n3A, %lt3A_10 : i32
    %ne3A_12 = vector.broadcast %lt3A_11 : i1 to vector<16xi1>
    %ne3A_13 = vector.broadcast %ne3A_12 : vector<16xi1> to vector<16xi1>
    %ne3A_14 = arith.xori %lt3A_9, %ne3A_13 : vector<16xi1>
    %and3A = arith.andi %ne3A_14, %ne3A_7 : vector<16xi1>
    %add3A_15 = vector.broadcast %select_n3A : i32 to vector<16xi32>
    %add3A_16 = arith.addi %rem3A_5, %add3A_15 : vector<16xi32>
    %select_n3A_17 = arith.select %and3A, %add3A_16, %rem3A_5 : vector<16xi1>, vector<16xi32>
    %mul3A_18 = arith.constant 8192 : i32
    %mul3A_19 = vector.broadcast %mul3A_18 : i32 to vector<16xi32>
    %mul3A_20 = arith.muli %select_n3A_17, %mul3A_19 : vector<16xi32>
    %scan3A = arith.constant 0 : i32
    %scan3A_21 = arith.constant 0 : i32
    %scan3A_22 = arith.constant 32 : i32
    %scan3A_23 = arith.addi %scan3A_21, %scan3A_22 : i32
    %scan3A_24 = arith.constant 1 : i32
    %scan3A_25 = scf.for %scan3A_34 = %scan3A_21 to %scan3A_23 step %scan3A_24 iter_args(%scan3A_35 = %scan3A) -> (i32)  : i32 {
      %get3A = arith.index_cast %scan3A_34 : i32 to index
      %get3A_36 = arith.constant 0 : index
      %get3A_37 = tpu.vector_load %arg5[%get3A, %get3A_36] {strides = array<i32>} : memref<32x128xi32, #tpu.memory_space<vmem>>, vector<1x16xi32>,
      %get3A_38 = vector.shape_cast %get3A_37 : vector<1x16xi32> to vector<16xi32>
      %add3A_39 = arith.addi %get3A_38, %mul3A_20 : vector<16xi32>
      %swap3A = arith.index_cast %scan3A_34 : i32 to index
      %swap3A_40 = arith.constant 0 : index
      %swap3A_41 = tpu.vector_load %arg5[%swap3A, %swap3A_40] {strides = array<i32>} : memref<32x128xi32, #tpu.memory_space<vmem>>, vector<1x16xi32>,
      %swap3A_42 = vector.shape_cast %swap3A_41 : vector<1x16xi32> to vector<16xi32>
      %swap3A_43 = vector.shape_cast %add3A_39 : vector<16xi32> to vector<1x16xi32>
      tpu.vector_store %arg5[%swap3A, %swap3A_40], %swap3A_43 {strides = array<i32>} : memref<32x128xi32, #tpu.memory_space<vmem>>, vector<1x16xi32>,
      %get3A_44 = arith.index_cast %scan3A_34 : i32 to index
      %get3A_45 = arith.constant 16 : index
      %get3A_46 = tpu.vector_load %arg5[%get3A_44, %get3A_45] {strides = array<i32>} : memref<32x128xi32, #tpu.memory_space<vmem>>, vector<1x16xi32>,
      %get3A_47 = vector.shape_cast %get3A_46 : vector<1x16xi32> to vector<16xi32>
      %add3A_48 = arith.addi %get3A_47, %mul3A_20 : vector<16xi32>
      %swap3A_49 = arith.index_cast %scan3A_34 : i32 to index
      %swap3A_50 = arith.constant 16 : index
      %swap3A_51 = tpu.vector_load %arg5[%swap3A_49, %swap3A_50] {strides = array<i32>} : memref<32x128xi32, #tpu.memory_space<vmem>>, vector<1x16xi32>,
      %swap3A_52 = vector.shape_cast %swap3A_51 : vector<1x16xi32> to vector<16xi32>
      %swap3A_53 = vector.shape_cast %add3A_48 : vector<16xi32> to vector<1x16xi32>
      tpu.vector_store %arg5[%swap3A_49, %swap3A_50], %swap3A_53 {strides = array<i32>} : memref<32x128xi32, #tpu.memory_space<vmem>>, vector<1x16xi32>,
      %get3A_54 = arith.index_cast %scan3A_34 : i32 to index
      %get3A_55 = arith.constant 32 : index
      %get3A_56 = tpu.vector_load %arg5[%get3A_54, %get3A_55] {strides = array<i32>} : memref<32x128xi32, #tpu.memory_space<vmem>>, vector<1x16xi32>,
      %get3A_57 = vector.shape_cast %get3A_56 : vector<1x16xi32> to vector<16xi32>
      %add3A_58 = arith.addi %get3A_57, %mul3A_20 : vector<16xi32>
      %swap3A_59 = arith.index_cast %scan3A_34 : i32 to index
      %swap3A_60 = arith.constant 32 : index
      %swap3A_61 = tpu.vector_load %arg5[%swap3A_59, %swap3A_60] {strides = array<i32>} : memref<32x128xi32, #tpu.memory_space<vmem>>, vector<1x16xi32>,
      %swap3A_62 = vector.shape_cast %swap3A_61 : vector<1x16xi32> to vector<16xi32>
      %swap3A_63 = vector.shape_cast %add3A_58 : vector<16xi32> to vector<1x16xi32>
      tpu.vector_store %arg5[%swap3A_59, %swap3A_60], %swap3A_63 {strides = array<i32>} : memref<32x128xi32, #tpu.memory_space<vmem>>, vector<1x16xi32>,
      %get3A_64 = arith.index_cast %scan3A_34 : i32 to index
      %get3A_65 = arith.constant 48 : index
      %get3A_66 = tpu.vector_load %arg5[%get3A_64, %get3A_65] {strides = array<i32>} : memref<32x128xi32, #tpu.memory_space<vmem>>, vector<1x16xi32>,
      %get3A_67 = vector.shape_cast %get3A_66 : vector<1x16xi32> to vector<16xi32>
      %add3A_68 = arith.addi %get3A_67, %mul3A_20 : vector<16xi32>
      %swap3A_69 = arith.index_cast %scan3A_34 : i32 to index
      %swap3A_70 = arith.constant 48 : index
      %swap3A_71 = tpu.vector_load %arg5[%swap3A_69, %swap3A_70] {strides = array<i32>} : memref<32x128xi32, #tpu.memory_space<vmem>>, vector<1x16xi32>,
      %swap3A_72 = vector.shape_cast %swap3A_71 : vector<1x16xi32> to vector<16xi32>
      %swap3A_73 = vector.shape_cast %add3A_68 : vector<16xi32> to vector<1x16xi32>
      tpu.vector_store %arg5[%swap3A_69, %swap3A_70], %swap3A_73 {strides = array<i32>} : memref<32x128xi32, #tpu.memory_space<vmem>>, vector<1x16xi32>,
      %get3A_74 = arith.index_cast %scan3A_34 : i32 to index
      %get3A_75 = arith.constant 64 : index
      %get3A_76 = tpu.vector_load %arg5[%get3A_74, %get3A_75] {strides = array<i32>} : memref<32x128xi32, #tpu.memory_space<vmem>>, vector<1x16xi32>,
      %get3A_77 = vector.shape_cast %get3A_76 : vector<1x16xi32> to vector<16xi32>
      %add3A_78 = arith.addi %get3A_77, %mul3A_20 : vector<16xi32>
      %swap3A_79 = arith.index_cast %scan3A_34 : i32 to index
      %swap3A_80 = arith.constant 64 : index
      %swap3A_81 = tpu.vector_load %arg5[%swap3A_79, %swap3A_80] {strides = array<i32>} : memref<32x128xi32, #tpu.memory_space<vmem>>, vector<1x16xi32>,
      %swap3A_82 = vector.shape_cast %swap3A_81 : vector<1x16xi32> to vector<16xi32>
      %swap3A_83 = vector.shape_cast %add3A_78 : vector<16xi32> to vector<1x16xi32>
      tpu.vector_store %arg5[%swap3A_79, %swap3A_80], %swap3A_83 {strides = array<i32>} : memref<32x128xi32, #tpu.memory_space<vmem>>, vector<1x16xi32>,
      %get3A_84 = arith.index_cast %scan3A_34 : i32 to index
      %get3A_85 = arith.constant 80 : index
      %get3A_86 = tpu.vector_load %arg5[%get3A_84, %get3A_85] {strides = array<i32>} : memref<32x128xi32, #tpu.memory_space<vmem>>, vector<1x16xi32>,
      %get3A_87 = vector.shape_cast %get3A_86 : vector<1x16xi32> to vector<16xi32>
      %add3A_88 = arith.addi %get3A_87, %mul3A_20 : vector<16xi32>
      %swap3A_89 = arith.index_cast %scan3A_34 : i32 to index
      %swap3A_90 = arith.constant 80 : index
      %swap3A_91 = tpu.vector_load %arg5[%swap3A_89, %swap3A_90] {strides = array<i32>} : memref<32x128xi32, #tpu.memory_space<vmem>>, vector<1x16xi32>,
      %swap3A_92 = vector.shape_cast %swap3A_91 : vector<1x16xi32> to vector<16xi32>
      %swap3A_93 = vector.shape_cast %add3A_88 : vector<16xi32> to vector<1x16xi32>
      tpu.vector_store %arg5[%swap3A_89, %swap3A_90], %swap3A_93 {strides = array<i32>} : memref<32x128xi32, #tpu.memory_space<vmem>>, vector<1x16xi32>,
      %get3A_94 = arith.index_cast %scan3A_34 : i32 to index
      %get3A_95 = arith.constant 96 : index
      %get3A_96 = tpu.vector_load %arg5[%get3A_94, %get3A_95] {strides = array<i32>} : memref<32x128xi32, #tpu.memory_space<vmem>>, vector<1x16xi32>,
      %get3A_97 = vector.shape_cast %get3A_96 : vector<1x16xi32> to vector<16xi32>
      %add3A_98 = arith.addi %get3A_97, %mul3A_20 : vector<16xi32>
      %swap3A_99 = arith.index_cast %scan3A_34 : i32 to index
      %swap3A_100 = arith.constant 96 : index
      %swap3A_101 = tpu.vector_load %arg5[%swap3A_99, %swap3A_100] {strides = array<i32>} : memref<32x128xi32, #tpu.memory_space<vmem>>, vector<1x16xi32>,
      %swap3A_102 = vector.shape_cast %swap3A_101 : vector<1x16xi32> to vector<16xi32>
      %swap3A_103 = vector.shape_cast %add3A_98 : vector<16xi32> to vector<1x16xi32>
      tpu.vector_store %arg5[%swap3A_99, %swap3A_100], %swap3A_103 {strides = array<i32>} : memref<32x128xi32, #tpu.memory_space<vmem>>, vector<1x16xi32>,
      %get3A_104 = arith.index_cast %scan3A_34 : i32 to index
      %get3A_105 = arith.constant 112 : index
      %get3A_106 = tpu.vector_load %arg5[%get3A_104, %get3A_105] {strides = array<i32>} : memref<32x128xi32, #tpu.memory_space<vmem>>, vector<1x16xi32>,
      %get3A_107 = vector.shape_cast %get3A_106 : vector<1x16xi32> to vector<16xi32>
      %add3A_108 = arith.addi %get3A_107, %mul3A_20 : vector<16xi32>
      %swap3A_109 = arith.index_cast %scan3A_34 : i32 to index
      %swap3A_110 = arith.constant 112 : index
      %swap3A_111 = tpu.vector_load %arg5[%swap3A_109, %swap3A_110] {strides = array<i32>} : memref<32x128xi32, #tpu.memory_space<vmem>>, vector<1x16xi32>,
      %swap3A_112 = vector.shape_cast %swap3A_111 : vector<1x16xi32> to vector<16xi32>
      %swap3A_113 = vector.shape_cast %add3A_108 : vector<16xi32> to vector<1x16xi32>
      tpu.vector_store %arg5[%swap3A_109, %swap3A_110], %swap3A_113 {strides = array<i32>} : memref<32x128xi32, #tpu.memory_space<vmem>>, vector<1x16xi32>,
      %scan3A_114 = arith.constant 0 : i32
      scf.yield %scan3A_114 : i32
    }
    %scan3A_26 = arith.constant 32 : i32
    %scan3A_27 = arith.constant 0 : i32
    %scan3A_28 = arith.constant 0 : i32
    %scan3A_29 = arith.constant 32 : i32
    %scan3A_30 = arith.addi %scan3A_28, %scan3A_29 : i32
    %scan3A_31 = arith.constant 1 : i32
    %scan3A_32 = scf.for %scan3A_34 = %scan3A_28 to %scan3A_30 step %scan3A_31 iter_args(%scan3A_35 = %scan3A_27) -> (i32)  : i32 {
      %dma_start3A = arith.constant 0 : i32
      %dma_start3A_36 = tpu.memref_slice %arg5[%scan3A_34, %dma_start3A] : memref<32x128xi32, #tpu.memory_space<vmem>> -> memref<1x128xi32, #tpu.memory_space<vmem>>
      %dma_start3A_37 = tpu.memref_squeeze %dma_start3A_36 : memref<1x128xi32, #tpu.memory_space<vmem>> -> memref<128xi32, #tpu.memory_space<vmem>>
      %dma_start3A_38 = arith.constant 0 : i32
      %dma_start3A_39 = arith.constant 0 : i32
      %dma_start3A_40 = tpu.memref_slice %arg2[%dma_start3A_38, %dma_start3A_39] : memref<65536x256xf32, #tpu.memory_space<hbm>> -> memref<65536x256xf32, #tpu.memory_space<hbm>>
      tpu.enqueue_indirect_dma source(%dma_start3A_40 : memref<65536x256xf32, #tpu.memory_space<hbm>>) target(%arg6 : memref<128x256xf32, #tpu.memory_space<vmem>>) offsets(%dma_start3A_37 : memref<128xi32, #tpu.memory_space<vmem>>) semaphore(%arg7 : memref<!tpu.dma_semaphore, #tpu.memory_space<semaphore_mem>>)
      %dma_wait3A = arith.constant 0 : i32
      %dma_wait3A_41 = tpu.memref_slice %arg5[%scan3A_34, %dma_wait3A] : memref<32x128xi32, #tpu.memory_space<vmem>> -> memref<1x128xi32, #tpu.memory_space<vmem>>
      %dma_wait3A_42 = tpu.memref_squeeze %dma_wait3A_41 : memref<1x128xi32, #tpu.memory_space<vmem>> -> memref<128xi32, #tpu.memory_space<vmem>>
      %dma_wait3A_43 = arith.constant 0 : i32
      %dma_wait3A_44 = arith.constant 0 : i32
      %dma_wait3A_45 = tpu.memref_slice %arg2[%dma_wait3A_43, %dma_wait3A_44] : memref<65536x256xf32, #tpu.memory_space<hbm>> -> memref<65536x256xf32, #tpu.memory_space<hbm>>
      tpu.wait_indirect_dma semaphore(%arg7 : memref<!tpu.dma_semaphore, #tpu.memory_space<semaphore_mem>>) src(%dma_wait3A_45 : memref<65536x256xf32, #tpu.memory_space<hbm>>) dst(%arg6 : memref<128x256xf32, #tpu.memory_space<vmem>>)
      %add3A_46 = arith.addi %mul3A_2, %scan3A_34 : i32
      %mul3A_47 = arith.constant 128 : i32
      %mul3A_48 = arith.muli %add3A_46, %mul3A_47 : i32
      "tpu.region"() ({
        %run_scoped3A = tpu.sem_alloc : memref<!tpu.dma_semaphore, #tpu.memory_space<semaphore_mem>>
        %dma_start3A_50 = arith.constant 0 : i32
        %dma_start3A_51 = tpu.memref_slice %arg4[%mul3A_48, %dma_start3A_50] : memref<131072x256xf32, #tpu.memory_space<hbm>> -> memref<128x256xf32, #tpu.memory_space<hbm>>
        %dma_start3A_52 = arith.constant 0 : i32
        %dma_start3A_53 = tpu.memref_slice %arg4[%mul3A_48, %dma_start3A_52] : memref<131072x256xf32, #tpu.memory_space<hbm>> -> memref<128x256xf32, #tpu.memory_space<hbm>>
        tpu.enqueue_dma source(%arg6 : memref<128x256xf32, #tpu.memory_space<vmem>>) target(%dma_start3A_53 : memref<128x256xf32, #tpu.memory_space<hbm>>) target_semaphore(%run_scoped3A : memref<!tpu.dma_semaphore, #tpu.memory_space<semaphore_mem>>)
        %dma_wait3A_54 = arith.constant 0 : i32
        %dma_wait3A_55 = tpu.memref_slice %arg4[%mul3A_48, %dma_wait3A_54] : memref<131072x256xf32, #tpu.memory_space<hbm>> -> memref<128x256xf32, #tpu.memory_space<hbm>>
        %dma_wait3A_56 = arith.constant 0 : i32
        %dma_wait3A_57 = tpu.memref_slice %arg4[%mul3A_48, %dma_wait3A_56] : memref<131072x256xf32, #tpu.memory_space<hbm>> -> memref<128x256xf32, #tpu.memory_space<hbm>>
        tpu.wait_dma2 semaphore(%run_scoped3A : memref<!tpu.dma_semaphore, #tpu.memory_space<semaphore_mem>>) src(%arg6 : memref<128x256xf32, #tpu.memory_space<vmem>>) dst(%dma_wait3A_57 : memref<128x256xf32, #tpu.memory_space<hbm>>)
        tpu.yield
      }) : () -> ()
      %scan3A_49 = arith.constant 0 : i32
      scf.yield %scan3A_49 : i32
    }
    %scan3A_33 = arith.constant 32 : i32
    return
  }
}

module attributes {stable_mosaic.version = 14 : i64} {
  func.func @body(%arg0: i32, %arg1: memref<1024x2048xf32, #tpu.memory_space<vmem>>, %arg2: memref<2048x1024xf32, #tpu.memory_space<vmem>>) attributes {dimension_semantics = [#tpu.dimension_semantics<arbitrary>], iteration_bounds = array<i64: 16>, scalar_prefetch = 0 : i64, scratch_operands = 0 : i64, tpu.core_type = #tpu.core_type<tc>, window_params = [{transform_indices = @transform_0, window_bounds = array<i64: 1024, 2048>}, {transform_indices = @transform_1, window_bounds = array<i64: 2048, 1024>}]} {
    %get3A = arith.constant 0 : index
    %get3A_0 = arith.constant 0 : index
    %get3A_1 = vector.load %arg1[%get3A, %get3A_0] : memref<1024x2048xf32, #tpu.memory_space<vmem>>, vector<1024x2048xf32>
    %transpose3A = tpu.transpose %get3A_1, [1, 0] : vector<1024x2048xf32> -> vector<2048x1024xf32>
    %swap3A = arith.constant 0 : index
    %swap3A_2 = arith.constant 0 : index
    %swap3A_3 = vector.load %arg2[%swap3A, %swap3A_2] : memref<2048x1024xf32, #tpu.memory_space<vmem>>, vector<2048x1024xf32>
    tpu.vector_store %arg2[%swap3A, %swap3A_2], %transpose3A {strides = array<i32>} : memref<2048x1024xf32, #tpu.memory_space<vmem>>, vector<2048x1024xf32>,
    return
  }
  func.func @transform_0(%arg0: i32) -> (i32, i32) {
    %c0_i32 = arith.constant 0 : i32
    %c0_i32_0 = arith.constant 0 : i32
    return %arg0, %c0_i32 : i32, i32
  }
  func.func @transform_1(%arg0: i32) -> (i32, i32) {
    %c0_i32 = arith.constant 0 : i32
    %c0_i32_0 = arith.constant 0 : i32
    return %arg0, %c0_i32 : i32, i32
  }
}

</mosaic_0001>

<sc_bundles>
// kernel: kernel.4.cloned.1.call-start
scs
__scs_entry_jumppad:
0x0: {  	(pc) =	sbr.rel $0x88, $3  }
0x1: {  	(tag) =	ssettag $0x0;
	lr =	simm.s32 $0x1  }
0x2: {  	[smem:$0x3F9F] =	sst lr;
	_ =	strace $0xD0000000  }
0x3: {  	_ = 	snop  }
0x4: {  	_ = 	snop  }
0x5: {  	_ = 	snop  }
0x6: {  	_ = 	snop  }
0x7: {  	_ = 	snop  }
__scs_overlays_trampoline_lowered:
0x8: {  	[smem:$0x3FAE] =	sst s0  }
0x9: {  	[smem:$0x3FAF] =	sst s1  }
0xa: {  	[smem:$0x3FB0] =	sst s2  }
0xb: {  	[smem:$0x3FB1] =	sst s3  }
0xc: {  	[smem:$0x3FB2] =	sst s4  }
0xd: {  	[smem:$0x3FB3] =	sst s5  }
0xe: {  	[smem:$0x3FB4] =	sst s6  }
0xf: {  	[smem:$0x3FB5] =	sst s7  }
0x10: {  	[smem:$0x3FB6] =	sst s8  }
0x11: {  	[smem:$0x3FB7] =	sst s9;
	s0 =	simm.s32 @!p0 $0x0  }
0x12: {  	s1 =	sld [smem:$0x3F9D];
	s0 =	simm.s32 @p0 $0x1  }
0x13: {  	[smem:$0x3FB8] =	sst s0;
	s0 =	simm.s32 @!p1 $0x0  }
0x14: {  	s2 =	sld [smem:$0x3F9C];
	s0 =	simm.s32 @p1 $0x1  }
0x15: {  	[smem:$0x3FB9] =	sst s0;
	s0 =	simm.s32 @!p2 $0x0  }
0x16: {  	s3 =	sld [smem:$0x3FDB];
	s0 =	simm.s32 @p2 $0x1  }
0x17: {  	s4 =	simm.s32 $0x1BF5;
	[smem:$0x3FBB] =	sst s0  }
0x18: {  	s0 =	sld [smem:$0x3F9E];
	_ =	swait.ge [sflag:s4], $0x0  }
0x19: {  	s7 =	sld [smem:$0x3F9F]  }
0x1a: {  	s8 =	sadd.s32 $0xFFFFE003, lr  }
0x1b: {  	s9 =	sadd.s32 $0xFFFFFEF7, lr;
	s5 =	simm.s32 $0xFFFFFFFF;
	p2 =	slt.u32 s8, $0xFFFFF086  }
0x1c: {  	p1 =	slt.u32 s9, $0xF7A;
	s5 =	simm.s32 @!p2 $0x0  }
0x1d: {  	s5 =	simm.s32 @p1 $0x1;
	p0 =	seq.s32 s7, s2  }
0x1e: {  	s7 =	smul.u32 @!p0 $0xF7A, s2;
	p2 =	seq.s32 @!p0 s5, $0x0  }
0x1f: {  	s9 =	smul.u32 $0xF7A, s1;
	s8 =	simm.s32 @!p0 $0x1BF5;
	p2 =	por !p2, p0  }
0x20: {  	[sflag:s8] =	ssyncset.s32 @!p0 $0xFFFFF086;
	s6 =	sadd.s32 @!p0 s3, s7;
	s7 =	simm.s32 @!p0 $0x108  }
0x21: {  	s3 =	sadd.s32 s3, s9;
	s6 =	sadd.s32 @!p0 $0x88, s6;
	s7 =	simm.s32 @p2 $0x1082  }
0x22: {  	[simem:s7], [sflag:s8] =	dma.local @!p0 [hbm:s6], $0xF7A  }
0x23: {  	s9 =	sor.u32 $0xD0000000, s2;
	s6 =	simm.s32 $0x108;
	_ =	swait.ge @!p0 [sflag:s8], $0x0  }
0x24: {  	s3 =	sadd.s32 $0x88, s3;
	s6 =	simm.s32 @!p1 $0x1082;
	[sflag:s4] =	ssyncset.s32 $0xFFFFF086  }
0x25: {  	[simem:s6], [sflag:s4] =	dma.local [hbm:s3], $0xF7A  }
0x26: {  	[smem:$0x3F9F] =	sst s1;
	(tag) =	ssettag s2;
	_ =	strace s9  }
0x27: {  	s1 =	sld [smem:$0x3FAF]  }
0x28: {  	s2 =	sld [smem:$0x3FB0]  }
0x29: {  	s4 =	sld [smem:$0x3FB2]  }
0x2a: {  	p0 =	seq.s32 s5, $0x0;
	s5 =	sld [smem:$0x3FB3]  }
0x2b: {  	s6 =	sld [smem:$0x3FB4]  }
0x2c: {  	s7 =	sld [smem:$0x3FB5]  }
0x2d: {  	s3 =	simm.s32 $0x108;
	s8 =	sld [smem:$0x3FB6]  }
0x2e: {  	s3 =	simm.s32 @!p0 $0x1082;
	s9 =	sld [smem:$0x3FB7]  }
0x2f: {  	lr =	sadd.s32 s0, s3;
	s0 =	sld [smem:$0x3FAE]  }
0x30: {  	s3 =	sld [smem:$0x3FB1]  }
0x31: {  	[smem:$0x3FBA] =	sst s10  }
0x32: {  	s10 =	sld [smem:$0x3FB8];
	_ =	sdelay $0x3  }
0x33: {  	p0 =	seq.s32 s10, $0x1;
	s10 =	sld [smem:$0x3FBA];
	_ =	sdelay $0x3  }
0x34: {  	[smem:$0x3FBA] =	sst s10  }
0x35: {  	s10 =	sld [smem:$0x3FB9];
	_ =	sdelay $0x3  }
0x36: {  	p1 =	seq.s32 s10, $0x1;
	s10 =	sld [smem:$0x3FBA];
	_ =	sdelay $0x3  }
0x37: {  	[smem:$0x3FBA] =	sst s10  }
0x38: {  	s10 =	sld [smem:$0x3FBB]  }
0x39: {  	_ = 	snop;
	(pc) =	sbr.ind lr, $3  }
0x3a: {  	_ = 	snop  }
0x3b: {  	_ = 	snop  }
0x3c: {  	p2 =	seq.s32 s10, $0x1;
	s10 =	sld [smem:$0x3FBA]  }
0x3d: {  	_ =	shalt  }
0x3e: {  	_ =	shalt  }
0x3f: {  	_ =	shalt  }
0x40: {  	_ =	shalt  }
0x41: {  	_ =	shalt  }
0x42: {  	_ =	shalt  }
0x43: {  	_ =	shalt  }
0x44: {  	_ =	shalt  }
0x45: {  	_ =	shalt  }
0x46: {  	_ =	shalt  }
0x47: {  	_ =	shalt  }
0x48: {  	_ =	shalt  }
0x49: {  	_ =	shalt  }
0x4a: {  	_ =	shalt  }
0x4b: {  	_ =	shalt  }
0x4c: {  	_ =	shalt  }
0x4d: {  	_ =	shalt  }
0x4e: {  	_ =	shalt  }
0x4f: {  	_ =	shalt  }
0x50: {  	_ =	shalt  }
0x51: {  	_ =	shalt  }
0x52: {  	_ =	shalt  }
0x53: {  	_ =	shalt  }
0x54: {  	_ =	shalt  }
0x55: {  	_ =	shalt  }
0x56: {  	_ =	shalt  }
0x57: {  	_ =	shalt  }
0x58: {  	_ =	shalt  }
0x59: {  	_ =	shalt  }
0x5a: {  	_ =	shalt  }
0x5b: {  	_ =	shalt  }
0x5c: {  	_ =	shalt  }
0x5d: {  	_ =	shalt  }
0x5e: {  	_ =	shalt  }
0x5f: {  	_ =	shalt  }
0x60: {  	_ =	shalt  }
0x61: {  	_ =	shalt  }
0x62: {  	_ =	shalt  }
0x63: {  	_ =	shalt  }
0x64: {  	_ =	shalt  }
0x65: {  	_ =	shalt  }
0x66: {  	_ =	shalt  }
0x67: {  	_ =	shalt  }
0x68: {  	_ =	shalt  }
0x69: {  	_ =	shalt  }
0x6a: {  	_ =	shalt  }
0x6b: {  	_ =	shalt  }
0x6c: {  	_ =	shalt  }
0x6d: {  	_ =	shalt  }
0x6e: {  	_ =	shalt  }
0x6f: {  	_ =	shalt  }
0x70: {  	_ =	shalt  }
0x71: {  	_ =	shalt  }
0x72: {  	_ =	shalt  }
0x73: {  	_ =	shalt  }
0x74: {  	_ =	shalt  }
0x75: {  	_ =	shalt  }
0x76: {  	_ =	shalt  }
0x77: {  	_ =	shalt  }
0x78: {  	_ =	shalt  }
0x79: {  	_ =	shalt  }
0x7a: {  	_ =	shalt  }
0x7b: {  	_ =	shalt  }
0x7c: {  	_ =	shalt  }
0x7d: {  	_ =	shalt  }
0x7e: {  	_ =	shalt  }
0x7f: {  	_ =	shalt  }
0x80: {  	_ =	shalt  }
0x81: {  	_ =	shalt  }
0x82: {  	_ =	shalt  }
0x83: {  	_ =	shalt  }
0x84: {  	_ =	shalt  }
0x85: {  	_ =	shalt  }
0x86: {  	_ =	shalt  }
0x87: {  	_ =	shalt  }
.Lfunc_end0:
.L_simem_size_0:
called_computation.2_lowered:
.L_overlay_start_0:
0x88: {  	s2 =	sld [smem:$0x3FD9]  }
0x89: {  	s3 =	sld [smem:$0x3FFE];
	_ =	sdelay $0x1  }
0x8a: {  	s1 =	srdreg.scid  }
0x8b: {  	s0 =	sand.u32 $0x1, s1  }
0x8c: {  	s17 =	sshll.u32 s0, $0xA;
	s2 =	sadd.s32 s3, s2  }
0x8d: {  	s2 =	sadd.s32 s2, s17  }
0x8e: {  	[smem:$0x3FC6] =	sst s2  }
0x8f: {  	_ = 	snop  }
0x90: {  	s2 =	sld [smem:$0x3FC8]  }
0x91: {  	s18 =	sld [smem:$0x3FD0];
	(tm) =	ssettm $0x1  }
0x92: {  	s4 =	sld [smem:$0x3FFB];
	_ =	sdelay $0x3  }
0x93: {  	_ =	strace s4  }
0x94: {  	s4 =	sld [smem:$0x3FFC];
	_ =	sdelay $0x3  }
0x95: {  	_ =	strace s4  }
0x96: {  	s4 =	sld [smem:$0x3FFD];
	_ =	sdelay $0x3  }
0x97: {  	_ =	strace s4  }
0x98: {  	_ =	strace $0x8FFFFFFF  }
0x99: {  	s19 =	sld [smem:$0x3FDB];
	_ =	sdelay $0x1  }
0x9a: {  	s5 =	simm.s32 $_scs_section_size  }
0x9b: {  	s6 =	simm.s32 $_size__tile_overlayer_lowered;
	s7 =	simm.s32 $_tile_overlayer_lowered  }
0x9c: {  	s22 =	simm.s32 $0x1BFF;
	s21 =	sshll.u32 s7, $0x1;
	s4 =	sadd.s32 s5, s19  }
0x9d: {  	s8 =	simm.s32 $0x0;
	s20 =	sshll.u32 s6, $0x1;
	s6 =	sadd.s32 s21, s4  }
0x9e: {  	[timem:s8], [sflag:s22] =	dma.local [hbm:s6], s20  }
0x9f: {  	_ =	swait.ge [sflag:s22], s20  }
0xa0: {  	s5 =	ssub.s32 $0x0, s20;
	[sflag:s22] =	ssyncset.done $0x0  }
0xa1: {  	[sflag:s22] =	ssyncadd.s32 s5;
	_ =	sdelay $0x1  }
0xa2: {  	s23 =	simm.s32 $0x1B8B  }
0xa3: {  	_ =	swait.ge [sflag:s23], $0x1  }
0xa4: {  	[sflag:s23] =	ssyncset.done $0x0  }
0xa5: {  	s25 =	simm.s32 $0x1B8E;
	s24 =	sld [smem:$0x3FFE];
	[sflag:s23] =	ssyncadd.s32 $0xFFFFFFFF  }
0xa6: {  	s26 =	simm.s32 $execute0_lowered;
	[smem:$0x3FD2] =	sst s25  }
0xa7: {  	s6 =	sshll.u32 s26, $0x1;
	_ =	strace $0x80000046;
	[dreg:$0x1] =	wrdreg $0xFFFFFFFF  }
0xa8: {  	s28 =	simm.s32 $_size_execute0_lowered;
	s4 =	sadd.s32 s4, s6;
	[dreg:$0x0] =	wrdreg $0x0  }
0xa9: {  	s6 =	sshll.u32 s28, $0x1;
	[dreg:$0x2] =	wrdreg s4  }
0xaa: {  	[dreg:$0x3] =	wrdreg s6  }
0xab: {  	[dreg:$0x4] =	wrdreg $0xC0  }
0xac: {  	_ =	task [dreg:s8], $0x5FFFF  }
0xad: {  	[dreg:$0x1] =	wrdreg $0xFFFFFFFF  }
0xae: {  	[dreg:$0x0] =	wrdreg $0x60  }
0xaf: {  	[dreg:$0x2] =	wrdreg s2  }
0xb0: {  	[dreg:$0x3] =	wrdreg s18  }
0xb1: {  	[dreg:$0x4] =	wrdreg s24  }
0xb2: {  	[dreg:$0x5] =	wrdreg $0x9  }
0xb3: {  	_ =	task.clear_ibuf [dreg:s8], $0x6FFFF;
	_ =	strace $0x90000046  }
0xb4: {  	s29 =	simm.s32 $0x9;
	_ =	strace $0x80000048  }
0xb5: {  	_ =	swait.ge [sflag:s29], $0x1  }
0xb6: {  	[sflag:s29] =	ssyncadd.s32 $0xFFFFFFFF  }
0xb7: {  	_ =	strace $0x90000048  }
0xb8: {  	_ =	sfence  }
0xb9: {  	s30 =	sld [smem:$0x0];
	_ =	sdelay $0x2  }
0xba: {  	s31 =	sshll.u32 s1, $0xD;
	s1 =	sshrl.u32 s1, $0x2  }
0xbb: {  	s3 =	sand.u32 $0x4000, s31;
	s1 =	sadd.s32 s1, s30  }
0xbc: {  	s0 =	sor.u32 s3, s0;
	s1 =	sshll.u32 s1, $0x11  }
0xbd: {  	s0 =	sor.u32 s1, s0  }
0xbe: {  	s0 =	sadd.s32 $0x8F2B, s0  }
0xbf: {  	[sflag:s0] =	ssyncadd.remote.s32 $0x1  }
0xc0: {  	_ =	sfence.sel $0xFFFF  }
0xc1: {  	[dreg:$0x0] =	wrdreg $0xFFFFFFFF;
	(pc) =	sbr.abs _section_cstart, $3  }
0xc2: {  	[dreg:$0x1] =	wrdreg $0xFFFFFFFF  }
0xc3: {  	_ =	task.clear_ibuf [dreg:s8], $0x2FFFF;
	_ =	strace $0x9FFFFFFF  }
0xc4: {  	(tm) =	ssettm $0x7FFFFFFF  }
0xc5: {  	_ =	shalt  }
tec
execute0_lowered:
.L_overlay_start_1:
0x0: {  	(tag) =	ssettag $0x1  }
0x1: {  	s1 =	rddreg [dreg:$0x0]  }
0x2: {  	s4 =	rddreg [dreg:$0x1]  }
0x3: {  	s5 =	rddreg [dreg:$0x2]  }
0x4: {  	s0 =	rddreg [dreg:$0x3];
	s3 =	simm.s32 $0x0;
	s2 =	stileid.u32  }
0x5: {  	s7 =	srdreg.scid;
	s11 =	simm.s32 $0x2800;
	s12 =	simm.s32 $0x3000  }
0x6: {  	s13 =	simm.s32 $0x3800;
	s14 =	simm.s32 $0x4000;
	s15 =	simm.s32 $0x4800  }
0x7: {  	s16 =	simm.s32 $0x5000;
	s17 =	simm.s32 $0x5800;
	s18 =	simm.s32 $0x6000  }
0x8: {  	s19 =	simm.s32 $0x6800;
	s20 =	simm.s32 $0x7000;
	s21 =	simm.s32 $0x7800  }
0x9: {  	s22 =	simm.s32 $0x8000;
	s23 =	simm.s32 $0x8800;
	s24 =	simm.s32 $0x1  }
0xa: {  	s25 =	simm.s32 $0x0;
	[smem:$0x7FF] =	sst s3;
	s6 =	sshll.u32 s2, $0x12  }
0xb: {  	s31 =	sand.u32 $0x1, s7;
	s8 =	sshll.u32 s2, $0xA;
	_ =	strace $0x80000047  }
0xc: {  	s5 =	sadd.s32 s6, s5;
	s7 =	ssub.s32 $0x2, s31;
	s9 =	sshll.u32 s31, $0x9  }
0xd: {  	v3 =	vlaneseq.u32;
	s6 =	sshll.u32 s31, $0x11;
	s10 =	sshrl.u32 s7, $0x1;
	s8 =	sor.u32 s9, s8  }
0xe: {  	v0 =	vand.u32 $0x7, v3;
	s6 =	sadd.s32 s6, s5;
	s9 =	simm.s32 $0x1800;
	s7 =	ssub.s32 s7, s10  }
0xf: {  	v2 =	vshrl.u32 v3, $0x3;
	v1 =	vmul.u32 $0x2000, v0;
	s4 =	sadd.s32 s4, s8;
	s6 =	sadd.s32 $0xC00, s6;
	s8 =	simm.s32 $0x1000  }
0x10: {  	vm0 =	vmmov $0xffff;
	v3 =	vor.u32 $0x8, v3;
	v2 =	vmul.u32 $0x8, v2;
	s10 =	simm.s32 $0x2000;
	s5 =	smax.u32 s7, $0x1;
	s7 =	simm.s32 $0x2  }
.LBB2_1:
0x11: {  	[tilespmem:s3], [sflag:$0x2] =	stream.linear.gather [hbm4b:s4+s3], $0x1000, $0x38;
	[tilespmem:$0x9000] =	vst v63  }
0x12: {  	_ =	swait.ge [sflag:s7], $0x1000  }
0x13: {  	[sflag:s7] =	ssyncset.done $0x0  }
0x14: {  	s26 =	simm.s32 $0x0;
	[sflag:s7] =	ssyncadd.s32 $0xFFFFF000  }
0x15: {  	v6 =	vld [tilespmem:s26+$0x0]  }
0x16: {  	v8 =	vld [tilespmem:s26+$0x10]  }
0x17: {  	v7 =	vld [tilespmem:s26+$0x20]  }
0x18: {  	v5 =	vld [tilespmem:s26+$0x30]  }
0x19: {  	v4 =	vld [tilespmem:s26+$0x40]  }
0x1a: {  	v9 =	vadd.s32 v1, v6;
	v6 =	vld [tilespmem:s26+$0x50]  }
0x1b: {  	s28 =	simm.s32 $0x200;
	[tilespmem:s26+$0x0] =	vst v9;
	v9 =	vadd.s32 v1, v8;
	v8 =	vld [tilespmem:s26+$0x60]  }
.LBB2_2:
0x1c: {  	s29 =	sshra.s32 s28, $0x2;
	p0 =	sne.s32 s28, $0x3E00;
	[tilespmem:s26+$0x10] =	vst v9;
	v7 =	vadd.s32 v1, v7;
	v9 =	vld [tilespmem:s26+$0x70]  }
0x1d: {  	v10 =	vld [tilespmem:s29+$0x0];
	[tilespmem:s26+$0x20] =	vst v7;
	v5 =	vadd.s32 v1, v5  }
0x1e: {  	v11 =	vld [tilespmem:s29+$0x10];
	[tilespmem:s26+$0x30] =	vst v5;
	v4 =	vadd.s32 v1, v4  }
.Ltmp0:
0x1f: {  	v7 =	vld [tilespmem:s29+$0x20];
	[tilespmem:s26+$0x40] =	vst v4;
	v4 =	vadd.s32 v1, v6;
	(pc) =	sbr.rel @p0 .LBB2_2-.Ltmp0, $4  }
0x20: {  	v5 =	vld [tilespmem:s29+$0x30];
	[tilespmem:s26+$0x50] =	vst v4;
	v6 =	vadd.s32 v1, v8  }
0x21: {  	v4 =	vld [tilespmem:s29+$0x40];
	[tilespmem:s26+$0x60] =	vst v6;
	v8 =	vadd.s32 v1, v9  }
0x22: {  	v9 =	vadd.s32 v1, v10;
	v6 =	vld [tilespmem:s29+$0x50];
	[tilespmem:s26+$0x70] =	vst v8;
	s26 =	smov.u32 s29  }
0x23: {  	s28 =	sadd.s32 $0x200, s28;
	[tilespmem:s26+$0x0] =	vst v9;
	v9 =	vadd.s32 v1, v11;
	v8 =	vld [tilespmem:s26+$0x60]  }
0x24: {  	[tilespmem:s26+$0x10] =	vst v9;
	v7 =	vadd.s32 v1, v7;
	v63 =	vld [tilespmem:s26+$0x70]  }
0x25: {  	[tilespmem:s26+$0x20] =	vst v7;
	v5 =	vadd.s32 v1, v5  }
0x26: {  	[tilespmem:s26+$0x30] =	vst v5;
	v4 =	vadd.s32 v1, v4  }
0x27: {  	[tilespmem:s26+$0x40] =	vst v4;
	v4 =	vadd.s32 v1, v6  }
0x28: {  	[tilespmem:s26+$0x50] =	vst v4;
	v4 =	vadd.s32 v1, v8  }
0x29: {  	[tilespmem:s26+$0x60] =	vst v4;
	v4 =	vadd.s32 v1, v63  }
0x2a: {  	s28 =	simm.s32 $0x40;
	[tilespmem:s26+$0x70] =	vst v4;
	s26 =	simm.s32 $0x0  }
.LBB2_4:
0x2b: {  	v4 =	vld [tilespmem:s28+$0xFFFFFFC0];
	_ =	sdelay $0x4  }
0x2c: {  	v5 =	vshll.u32 v4, $0x1  }
0x2d: {  	v4 =	vand.u32 $0x7, v4;
	v5 =	vand.u32 $0xFFFFFFF0, v5  }
0x2e: {  	v4 =	vor.u32 v4, v5  }
0x2f: {  	v5 =	vperm.xlane v4, v0;
	_ =	sdelay $0x1  }
0x30: {  	v4 =	vperm.xlane v4, v3;
	v5 =	vadd.s32 v2, v5;
	_ =	sdelay $0x1  }
0x31: {  	v4 =	vadd.s32 v2, v4;
	_ =	sdelay $0x2  }
0x32: {  	[tilespmem:s8], [sflag:$0x1] =	stream.indirect_vreg.gather [hbm4b:s1+s3], $0x80, v5, vm0, $0xb8;
	[tilespmem:$0x9000] =	vst v63  }
0x33: {  	_ = 	snop  }
0x34: {  	[tilespmem:s9], [sflag:$0x1] =	stream.indirect_vreg.gather [hbm4b:s1+s3], $0x80, v4, vm0, $0xb8;
	[tilespmem:$0x9000] =	vst v63  }
0x35: {  	v4 =	vld [tilespmem:s28+$0xFFFFFFD0];
	_ =	sdelay $0x4  }
0x36: {  	v5 =	vshll.u32 v4, $0x1  }
0x37: {  	v4 =	vand.u32 $0x7, v4;
	v5 =	vand.u32 $0xFFFFFFF0, v5  }
0x38: {  	v4 =	vor.u32 v4, v5  }
0x39: {  	v5 =	vperm.xlane v4, v0;
	_ =	sdelay $0x1  }
0x3a: {  	v4 =	vperm.xlane v4, v3;
	v5 =	vadd.s32 v2, v5;
	_ =	sdelay $0x1  }
0x3b: {  	v4 =	vadd.s32 v2, v4;
	_ =	sdelay $0x2  }
0x3c: {  	[tilespmem:s10], [sflag:$0x1] =	stream.indirect_vreg.gather [hbm4b:s1+s3], $0x80, v5, vm0, $0xb8;
	[tilespmem:$0x9000] =	vst v63  }
0x3d: {  	_ = 	snop  }
0x3e: {  	[tilespmem:s11], [sflag:$0x1] =	stream.indirect_vreg.gather [hbm4b:s1+s3], $0x80, v4, vm0, $0xb8;
	[tilespmem:$0x9000] =	vst v63  }
0x3f: {  	v4 =	vld [tilespmem:s28+$0xFFFFFFE0];
	_ =	sdelay $0x4  }
0x40: {  	v5 =	vshll.u32 v4, $0x1  }
0x41: {  	v4 =	vand.u32 $0x7, v4;
	v5 =	vand.u32 $0xFFFFFFF0, v5  }
0x42: {  	v4 =	vor.u32 v4, v5  }
0x43: {  	v5 =	vperm.xlane v4, v0;
	_ =	sdelay $0x1  }
0x44: {  	v4 =	vperm.xlane v4, v3;
	v5 =	vadd.s32 v2, v5;
	_ =	sdelay $0x1  }
0x45: {  	v4 =	vadd.s32 v2, v4;
	_ =	sdelay $0x2  }
0x46: {  	[tilespmem:s12], [sflag:$0x1] =	stream.indirect_vreg.gather [hbm4b:s1+s3], $0x80, v5, vm0, $0xb8;
	[tilespmem:$0x9000] =	vst v63  }
0x47: {  	_ = 	snop  }
0x48: {  	[tilespmem:s13], [sflag:$0x1] =	stream.indirect_vreg.gather [hbm4b:s1+s3], $0x80, v4, vm0, $0xb8;
	[tilespmem:$0x9000] =	vst v63  }
0x49: {  	v4 =	vld [tilespmem:s28+$0xFFFFFFF0];
	_ =	sdelay $0x4  }
0x4a: {  	v5 =	vshll.u32 v4, $0x1  }
0x4b: {  	v4 =	vand.u32 $0x7, v4;
	v5 =	vand.u32 $0xFFFFFFF0, v5  }
0x4c: {  	v4 =	vor.u32 v4, v5  }
0x4d: {  	v5 =	vperm.xlane v4, v0;
	_ =	sdelay $0x1  }
0x4e: {  	v4 =	vperm.xlane v4, v3;
	v5 =	vadd.s32 v2, v5;
	_ =	sdelay $0x1  }
0x4f: {  	v4 =	vadd.s32 v2, v4;
	_ =	sdelay $0x2  }
0x50: {  	[tilespmem:s14], [sflag:$0x1] =	stream.indirect_vreg.gather [hbm4b:s1+s3], $0x80, v5, vm0, $0xb8;
	[tilespmem:$0x9000] =	vst v63  }
0x51: {  	_ = 	snop  }
0x52: {  	[tilespmem:s15], [sflag:$0x1] =	stream.indirect_vreg.gather [hbm4b:s1+s3], $0x80, v4, vm0, $0xb8;
	[tilespmem:$0x9000] =	vst v63  }
0x53: {  	v4 =	vld [tilespmem:s28+$0x0];
	_ =	sdelay $0x4  }
0x54: {  	v5 =	vshll.u32 v4, $0x1  }
0x55: {  	v4 =	vand.u32 $0x7, v4;
	v5 =	vand.u32 $0xFFFFFFF0, v5  }
0x56: {  	v4 =	vor.u32 v4, v5  }
0x57: {  	v5 =	vperm.xlane v4, v0;
	_ =	sdelay $0x1  }
0x58: {  	v4 =	vperm.xlane v4, v3;
	v5 =	vadd.s32 v2, v5;
	_ =	sdelay $0x1  }
0x59: {  	v4 =	vadd.s32 v2, v4;
	_ =	sdelay $0x2  }
0x5a: {  	[tilespmem:s16], [sflag:$0x1] =	stream.indirect_vreg.gather [hbm4b:s1+s3], $0x80, v5, vm0, $0xb8;
	[tilespmem:$0x9000] =	vst v63  }
0x5b: {  	_ = 	snop  }
0x5c: {  	[tilespmem:s17], [sflag:$0x1] =	stream.indirect_vreg.gather [hbm4b:s1+s3], $0x80, v4, vm0, $0xb8;
	[tilespmem:$0x9000] =	vst v63  }
0x5d: {  	v4 =	vld [tilespmem:s28+$0x10];
	_ =	sdelay $0x4  }
0x5e: {  	v5 =	vshll.u32 v4, $0x1  }
0x5f: {  	v4 =	vand.u32 $0x7, v4;
	v5 =	vand.u32 $0xFFFFFFF0, v5  }
0x60: {  	v4 =	vor.u32 v4, v5  }
0x61: {  	v5 =	vperm.xlane v4, v0;
	_ =	sdelay $0x1  }
0x62: {  	v4 =	vperm.xlane v4, v3;
	v5 =	vadd.s32 v2, v5;
	_ =	sdelay $0x1  }
0x63: {  	v4 =	vadd.s32 v2, v4;
	_ =	sdelay $0x2  }
0x64: {  	[tilespmem:s18], [sflag:$0x1] =	stream.indirect_vreg.gather [hbm4b:s1+s3], $0x80, v5, vm0, $0xb8;
	[tilespmem:$0x9000] =	vst v63  }
0x65: {  	_ = 	snop  }
0x66: {  	[tilespmem:s19], [sflag:$0x1] =	stream.indirect_vreg.gather [hbm4b:s1+s3], $0x80, v4, vm0, $0xb8;
	[tilespmem:$0x9000] =	vst v63  }
0x67: {  	v4 =	vld [tilespmem:s28+$0x20];
	_ =	sdelay $0x4  }
0x68: {  	v5 =	vshll.u32 v4, $0x1  }
0x69: {  	v4 =	vand.u32 $0x7, v4;
	v5 =	vand.u32 $0xFFFFFFF0, v5  }
0x6a: {  	v4 =	vor.u32 v4, v5  }
0x6b: {  	v5 =	vperm.xlane v4, v0;
	_ =	sdelay $0x1  }
0x6c: {  	v4 =	vperm.xlane v4, v3;
	v5 =	vadd.s32 v2, v5;
	_ =	sdelay $0x1  }
0x6d: {  	v4 =	vadd.s32 v2, v4;
	_ =	sdelay $0x2  }
0x6e: {  	[tilespmem:s20], [sflag:$0x1] =	stream.indirect_vreg.gather [hbm4b:s1+s3], $0x80, v5, vm0, $0xb8;
	[tilespmem:$0x9000] =	vst v63  }
0x6f: {  	_ = 	snop  }
0x70: {  	[tilespmem:s21], [sflag:$0x1] =	stream.indirect_vreg.gather [hbm4b:s1+s3], $0x80, v4, vm0, $0xb8;
	[tilespmem:$0x9000] =	vst v63  }
0x71: {  	v4 =	vld [tilespmem:s28+$0x30];
	_ =	sdelay $0x4  }
0x72: {  	v5 =	vshll.u32 v4, $0x1  }
0x73: {  	v4 =	vand.u32 $0x7, v4;
	v5 =	vand.u32 $0xFFFFFFF0, v5  }
0x74: {  	v4 =	vor.u32 v4, v5  }
0x75: {  	v5 =	vperm.xlane v4, v0;
	_ =	sdelay $0x1  }
0x76: {  	v4 =	vperm.xlane v4, v3;
	v5 =	vadd.s32 v2, v5;
	_ =	sdelay $0x1  }
0x77: {  	v4 =	vadd.s32 v2, v4;
	_ =	sdelay $0x2  }
0x78: {  	[tilespmem:s22], [sflag:$0x1] =	stream.indirect_vreg.gather [hbm4b:s1+s3], $0x80, v5, vm0, $0xb8;
	[tilespmem:$0x9000] =	vst v63  }
0x79: {  	_ = 	snop  }
0x7a: {  	[tilespmem:s23], [sflag:$0x1] =	stream.indirect_vreg.gather [hbm4b:s1+s3], $0x80, v4, vm0, $0xb8;
	[tilespmem:$0x9000] =	vst v63  }
0x7b: {  	_ =	swait.ge [sflag:s24], $0x8000  }
0x7c: {  	p0 =	sne.s32 s26, $0x1F000;
	[sflag:s24] =	ssyncset.done $0x0  }
.Ltmp1:
0x7d: {  	s29 =	sadd.s32 s26, s6;
	[sflag:s24] =	ssyncadd.s32 $0xFFFF8000;
	(pc) =	sbr.rel @p0 .LBB2_4-.Ltmp1, $4  }
0x7e: {  	[hbm4b:s29+s3] =	stream.linear.scatter [tilespmem:s8], [sflag:$0x2], $0x8000, $0x38;
	[tilespmem:$0x9000] =	vst v63  }
0x7f: {  	_ =	swait.ge [sflag:s7], $0x8000  }
0x80: {  	[sflag:s7] =	ssyncset.done $0x0  }
0x81: {  	s26 =	sadd.s32 $0x1000, s26;
	s28 =	sadd.s32 $0x80, s28;
	[sflag:s7] =	ssyncadd.s32 $0xFFFF8000  }
0x82: {  	s25 =	sadd.s32 $0x1, s25  }
0x83: {  	p0 =	sne.s32 s25, s5  }
.Ltmp2:
0x84: {  	_ = 	snop;
	(pc) =	sbr.rel @p0 .LBB2_1-.Ltmp2, $1  }
0x85: {  	_ =	sdelay $0x3  }
0x86: {  	_ =	sfence.sel $0x180000  }
0x87: {  	[bflag:$0x0] =	sbarrier.arrive $0xFFFF  }
0x88: {  	p0 =	sne.s32 s2, $0x0;
	_ =	strace $0x90000047  }
0x89: {  	s0 =	sadd.s32 @!p0 $0x100000, s0;
	[bflag:$0x2] =	sbarrier.arrive $0xFFFF  }
0x8a: {  	[sflag:s0] =	ssyncadd.tile.s32 @!p0 $0x1;
	_ =	shalt  }
.Lfunc_end2:
_tile_overlayer_lowered:
.L_overlay_start_2:
0x8b: {  	(tag) =	ssettag $0x2  }
0x8c: {  	s0 =	rddreg [dreg:$0x0];
	s2 =	stileid.u32  }
0x8d: {  	s1 =	rddreg [dreg:$0x1];
	p0 =	sne.s32 s2, $0x0  }
0x8e: {  	s3 =	rddreg [dreg:$0x2];
	[bflag:$0x3] =	sbarrier.arrive $0xFFFF;
	s2 =	simm.s32 @!p0 $0x1C02  }
0x8f: {  	[timem:s3], [sflag:s2] =	dma.local @!p0 [hbm:s0], s1  }
0x90: {  	s0 =	simm.s32 @!p0 $0x2  }
0x91: {  	_ =	swait.ge @!p0 [sflag:s0], s1  }
0x92: {  	s1 =	ssub.s32 @!p0 $0x0, s1;
	[sflag:s0] =	ssyncset.done @!p0 $0x0  }
0x93: {  	[sflag:s0] =	ssyncadd.s32 @!p0 s1  }
0x94: {  	[bflag:$0x3] =	sbarrier.arrive $0xFFFF  }
0x95: {  	_ =	shalt  }

// kernel: sparse-core-data-format-call.1.cloned.1.call-start
scs
called_computation.1_lowered:
.L_overlay_start_0:
0x0: {  	s2 =	sld [smem:$0x3FD9]  }
0x1: {  	s3 =	sld [smem:$0x3FFE];
	_ =	sdelay $0x1  }
0x2: {  	s1 =	srdreg.scid  }
0x3: {  	s0 =	sand.u32 $0x1, s1  }
0x4: {  	s18 =	sshll.u32 s0, $0xA;
	s2 =	sadd.s32 s3, s2  }
0x5: {  	s2 =	sadd.s32 s2, s18  }
0x6: {  	[smem:$0x3FC6] =	sst s2  }
0x7: {  	_ = 	snop  }
0x8: {  	s2 =	sld [smem:$0x3FD0];
	(tm) =	ssettm $0x1  }
0x9: {  	s19 =	sld [smem:$0x3FFB];
	_ =	sdelay $0x3  }
0xa: {  	_ =	strace s19  }
0xb: {  	s3 =	sld [smem:$0x3FFC];
	_ =	sdelay $0x3  }
0xc: {  	_ =	strace s3  }
0xd: {  	s3 =	sld [smem:$0x3FFD];
	_ =	sdelay $0x3  }
0xe: {  	_ =	strace s3  }
0xf: {  	_ =	strace $0x8FFFFFFF  }
0x10: {  	s20 =	sld [smem:$0x3FDB];
	_ =	sdelay $0x1  }
0x11: {  	s4 =	simm.s32 $_scs_section_size  }
0x12: {  	s5 =	simm.s32 $_size__tile_overlayer_lowered;
	s6 =	simm.s32 $_tile_overlayer_lowered  }
0x13: {  	s23 =	simm.s32 $0x1BFF;
	s22 =	sshll.u32 s6, $0x1;
	s3 =	sadd.s32 s4, s20  }
0x14: {  	s7 =	simm.s32 $0x0;
	s21 =	sshll.u32 s5, $0x1;
	s5 =	sadd.s32 s22, s3  }
0x15: {  	[timem:s7], [sflag:s23] =	dma.local [hbm:s5], s21  }
0x16: {  	_ =	swait.ge [sflag:s23], s21  }
0x17: {  	s4 =	ssub.s32 $0x0, s21;
	[sflag:s23] =	ssyncset.done $0x0  }
0x18: {  	[sflag:s23] =	ssyncadd.s32 s4;
	_ =	sdelay $0x1  }
0x19: {  	s24 =	simm.s32 $0x1B8B  }
0x1a: {  	_ =	swait.ge [sflag:s24], $0x1  }
0x1b: {  	[sflag:s24] =	ssyncset.done $0x0  }
0x1c: {  	s26 =	simm.s32 $0x1B8E;
	s25 =	sld [smem:$0x3FFE];
	[sflag:s24] =	ssyncadd.s32 $0xFFFFFFFF  }
0x1d: {  	s27 =	simm.s32 $execute0_lowered;
	[smem:$0x3FD2] =	sst s26  }
0x1e: {  	s5 =	sshll.u32 s27, $0x1;
	_ =	strace $0x80000049;
	[dreg:$0x1] =	wrdreg $0xFFFFFFFF  }
0x1f: {  	s28 =	simm.s32 $_size_execute0_lowered;
	s3 =	sadd.s32 s3, s5;
	[dreg:$0x0] =	wrdreg $0x0  }
0x20: {  	s5 =	sshll.u32 s28, $0x1;
	[dreg:$0x2] =	wrdreg s3  }
0x21: {  	[dreg:$0x3] =	wrdreg s5  }
0x22: {  	[dreg:$0x4] =	wrdreg $0xC0  }
0x23: {  	_ =	task [dreg:s7], $0x5FFFF  }
0x24: {  	[dreg:$0x1] =	wrdreg $0xFFFFFFFF  }
0x25: {  	[dreg:$0x0] =	wrdreg $0x60  }
0x26: {  	[dreg:$0x2] =	wrdreg s2  }
0x27: {  	[dreg:$0x3] =	wrdreg s25  }
0x28: {  	[dreg:$0x4] =	wrdreg $0x9  }
0x29: {  	_ =	task.clear_ibuf [dreg:s7], $0x5FFFF;
	_ =	strace $0x90000049  }
0x2a: {  	s29 =	simm.s32 $0x9;
	_ =	strace $0x8000004B  }
0x2b: {  	_ =	swait.ge [sflag:s29], $0x1  }
0x2c: {  	[sflag:s29] =	ssyncadd.s32 $0xFFFFFFFF  }
0x2d: {  	_ =	strace $0x9000004B  }
0x2e: {  	_ =	sfence  }
0x2f: {  	s30 =	sld [smem:$0x0];
	_ =	sdelay $0x2  }
0x30: {  	s31 =	sshll.u32 s1, $0xD;
	s1 =	sshrl.u32 s1, $0x2  }
0x31: {  	s3 =	sand.u32 $0x4000, s31;
	s1 =	sadd.s32 s1, s30  }
0x32: {  	s0 =	sor.u32 s3, s0;
	s1 =	sshll.u32 s1, $0x11  }
0x33: {  	s0 =	sor.u32 s1, s0  }
0x34: {  	s0 =	sadd.s32 $0x8F2B, s0  }
0x35: {  	[sflag:s0] =	ssyncadd.remote.s32 $0x1  }
0x36: {  	_ =	sfence.sel $0xFFFF  }
0x37: {  	[dreg:$0x0] =	wrdreg $0xFFFFFFFF;
	(pc) =	sbr.abs _section_cstart, $3  }
0x38: {  	[dreg:$0x1] =	wrdreg $0xFFFFFFFF  }
0x39: {  	_ =	task.clear_ibuf [dreg:s7], $0x2FFFF;
	_ =	strace $0x9FFFFFFF  }
0x3a: {  	(tm) =	ssettm $0x7FFFFFFF  }
0x3b: {  	_ =	shalt  }
tec
execute0_lowered:
.L_overlay_start_1:
0x0: {  	(tag) =	ssettag $0x1  }
0x1: {  	s2 =	rddreg [dreg:$0x0]  }
0x2: {  	s1 =	rddreg [dreg:$0x1]  }
0x3: {  	s0 =	rddreg [dreg:$0x2]  }
0x4: {  	_ =	strace $0x8000004A;
	s4 =	srdreg.scid;
	s6 =	simm.s32 $0x2  }
0x5: {  	s12 =	simm.s32 $0x0;
	p0 =	por $0x0, $0x0;
	s13 =	simm.s32 $0x0  }
0x6: {  	s15 =	simm.s32 $0x0;
	s14 =	simm.s32 $0x0;
	s8 =	simm.s32 $0x0  }
.Ltmp0:
0x7: {  	s9 =	simm.s32 $0x0;
	s10 =	simm.s32 $0x0;
	(pc) =	sbr.rel .LBB1_1-.Ltmp0, $4  }
0x8: {  	s7 =	simm.s32 $0x0;
	s3 =	sadd.s32 $0xC00, s1;
	s5 =	sshll.u32 s4, $0x4  }
0x9: {  	s1 =	stileid.u32;
	s4 =	simm.s32 $0x1;
	s5 =	sand.u32 $0x10, s5  }
0xa: {  	s21 =	simm.s32 $0x0;
	[sflag:s4] =	ssyncpa.u1 $0x0;
	s5 =	sor.u32 s1, s5  }
0xb: {  	[sflag:s6] =	ssyncpa.u1 $0x0;
	s6 =	simm.s32 $0x8000;
	s11 =	smov.u32 s5  }
.LBB1_7:
0xc: {  	s16 =	sadd.s32 $0x100, s8  }
0xd: {  	s12 =	sadd.s32 $0x8, s9;
	s17 =	smov.u32 s9;
	p2 =	sgt.s32 s16, $0x7FF  }
0xe: {  	s17 =	smov.u32 @p2 s12  }
0xf: {  	s18 =	smov.u32 s10;
	s12 =	sadd.s32 $0x8, s10;
	p3 =	sgt.s32 s17, $0x7  }
0x10: {  	s18 =	smov.u32 @p3 s12  }
0x11: {  	s19 =	smov.u32 s11;
	s12 =	sadd.s32 $0x20, s11;
	p4 =	sgt.s32 s18, $0xF  }
0x12: {  	p1 =	slt.u32 s7, $0x2;
	s19 =	smov.u32 @p4 s12  }
0x13: {  	s7 =	sadd.s32 $0x1, s7;
	s16 =	simm.s32 @p2 $0x0;
	p2 =	sgt.s32 s19, $0x7F  }
0x14: {  	s20 =	simm.s32 @!p1 $0x2;
	s19 =	smov.u32 @p2 s5;
	p2 =	sne.s32 s7, $0x42  }
.Ltmp1:
0x15: {  	s13 =	smov.u32 s9;
	_ =	swait.ge @!p1 [sflag:s20], $0x4000;
	(pc) =	sbr.rel @!p2 .LBB1_8-.Ltmp1, $4  }
0x16: {  	s15 =	smov.u32 s10;
	s14 =	smov.u32 s11;
	[sflag:s20] =	ssyncset.done @!p1 $0x0  }
0x17: {  	p0 =	por !p0, !p0;
	s17 =	simm.s32 @p3 $0x0;
	[sflag:s20] =	ssyncadd.s32 @!p1 $0xFFFFC000  }
0x18: {  	s9 =	smov.u32 s17;
	s18 =	simm.s32 @p4 $0x0;
	s12 =	smov.u32 s8  }
0x19: {  	s8 =	smov.u32 s16;
	s10 =	smov.u32 s18;
	s11 =	smov.u32 s19  }
.LBB1_1:
0x1a: {  	p1 =	sgt.u32 s7, $0x3F  }
0x1b: {  	s16 =	sxor.u32 @!p1 $0xFFFFFFFF, s7  }
0x1c: {  	s17 =	sshll.u32 @!p1 s9, $0x7;
	s18 =	sand.u32 @!p1 $0x78, s8;
	s19 =	sshll.u32 @!p1 s8, $0x3  }
0x1d: {  	s20 =	sand.u32 @!p1 $0x700, s8;
	s16 =	sshll.u32 @!p1 s16, $0xE;
	s17 =	sand.u32 @!p1 $0x380, s17  }
0x1e: {  	s19 =	sand.u32 @!p1 $0x400, s19;
	s17 =	sor.u32 @!p1 s17, s18;
	s18 =	sshll.u32 @!p1 s11, $0xF  }
0x1f: {  	s17 =	sor.u32 @!p1 s19, s17;
	s19 =	sshll.u32 @!p1 s10, $0xB;
	s18 =	sadd.s32 @!p1 s2, s18  }
0x20: {  	s16 =	sand.u32 @!p1 $0x4000, s16;
	s18 =	sadd.s32 @!p1 s19, s18;
	s19 =	sand.u32 @!p1 $0x7, s8  }
0x21: {  	s17 =	sshrl.u32 @!p1 s17, $0x3;
	s18 =	sadd.s32 @!p1 s20, s18;
	s19 =	sshll.u32 @!p1 s19, $0x12  }
0x22: {  	s17 =	sadd.s32 @!p1 s17, s18;
	s18 =	sor.u32 @!p1 $0x800, s19;
	s19 =	simm.s32 @!p1 $0x4000  }
0x23: {  	[tilespmem:s16], [sflag:$0x1] =	stream.strided.gather @!p1 [hbm4b:s17+s18], $0x4000, s19, s18, $0x38;
	[tilespmem:$0x10000] =	vst v63  }
0x24: {  	p1 =	seq.s32 s7, $0x0  }
0x25: {  	p2 =	seq.s32 @!p1 s7, $0x41  }
0x26: {  	p1 =	por p1, p2  }
.Ltmp2:
0x27: {  	_ = 	snop;
	(pc) =	sbr.rel @p1 .LBB1_7-.Ltmp2, $1  }
0x28: {  	_ =	sdelay $0x3  }
0x29: {  	s16 =	simm.s32 $0x1  }
0x2a: {  	_ =	swait.ge [sflag:s4], $0x4000;
	s31 =	sshll.u32 s7, $0xE;
	p1 =	por $0x0, $0x0  }
0x2b: {  	s22 =	simm.s32 $0x0;
	s23 =	simm.s32 $0x0;
	s16 =	simm.s32 @!p0 $0x0  }
0x2c: {  	[sflag:s4] =	ssyncset.done $0x0;
	s19 =	sand.u32 $0x4000, s31;
	s16 =	sshll.u32 s16, $0x10  }
0x2d: {  	[sflag:s4] =	ssyncadd.s32 $0xFFFFC000;
	s20 =	sshrl.u32 s16, $0x2;
	s16 =	sor.u32 $0x8000, s19  }
0x2e: {  	s17 =	sor.u32 $0x40, s20;
	s18 =	sor.u32 $0x8410, s20;
	s20 =	sadd.s32 $0x8400, s20  }
.LBB1_3:
0x2f: {  	v1 =	vld [tilespmem:s17+$0xFFFFFFD0]  }
0x30: {  	v2 =	vld [tilespmem:s17+$0x430]  }
0x31: {  	s24 =	sshll.u32 s23, $0xB;
	v4 =	vld [tilespmem:s17+$0xFFFFFFE0]  }
0x32: {  	v7 =	vld [tilespmem:s17+$0xFFFFFFF0];
	v0 =	vmov s24  }
0x33: {  	v8 =	vld [tilespmem:s17+$0x0]  }
0x34: {  	s30 =	sand.u32 $0x300, s21;
	v9 =	vld [tilespmem:s17+$0x10]  }
0x35: {  	s25 =	sand.u32 $0x80, s21;
	v10 =	vld [tilespmem:s17+$0x20];
	s24 =	sadd.s32 s30, s19  }
0x36: {  	v11 =	vld [tilespmem:s17+$0x30];
	s24 =	sadd.s32 s25, s24;
	s25 =	simm.s32 $0x1;
	[tilespmem:s18+$0x60] =	vst v2  }
0x37: {  	s31 =	sshll.u32 s22, $0x2;
	s25 =	simm.s32 @!p1 $0x0;
	[tilespmem:s18+$0xFFFFFC00] =	vst v1;
	v3 =	vld.idx.msk [tilespmem:v0+s24+$0x400 ss:$0x1], $0xffff  }
0x38: {  	v6 =	vld [tilespmem:s17+$0x3D0];
	s25 =	sshll.u32 s25, $0x9;
	[tilespmem:s18+$0xFFFFFC10] =	vst v4;
	s24 =	sand.u32 $0xFFFFFC00, s31  }
0x39: {  	v5 =	vld [tilespmem:s17+$0x3E0];
	[tilespmem:s18+$0xFFFFFC20] =	vst v7;
	s24 =	sor.u32 s25, s24  }
0x3a: {  	[tilespmem:s18+$0xFFFFFC30] =	vst v8;
	v4 =	vld [tilespmem:s17+$0x400];
	s24 =	sshrl.u32 s24, $0x2  }
0x3b: {  	[tilespmem:s18+$0xFFFFFC40] =	vst v9;
	v1 =	vld [tilespmem:s17+$0x410];
	s24 =	sadd.s32 s24, s20  }
0x3c: {  	[tilespmem:s24+$0x0] =	vst v3;
	v3 =	vld [tilespmem:s17+$0x3F0]  }
0x3d: {  	s28 =	simm.s32 $0x80;
	s27 =	simm.s32 $0x100;
	[tilespmem:s18+$0xFFFFFC50] =	vst v10;
	v2 =	vld [tilespmem:s17+$0x420]  }
0x3e: {  	s26 =	smov.u32 s18;
	s29 =	sand.u32 $0x300, s28;
	v7 =	vld [tilespmem:s17+$0xFFFFFFC0];
	[tilespmem:s18+$0xFFFFFC60] =	vst v11;
	s25 =	sadd.s32 $0x80, s17  }
.LBB1_4:
0x3f: {  	p2 =	sne.s32 s27, $0x380;
	v8 =	vld [tilespmem:s25+$0xFFFFFFD0];
	s28 =	sand.u32 $0x80, s28;
	s29 =	sadd.s32 s29, s19;
	[tilespmem:s26+$0x0] =	vst v6  }
0x40: {  	s29 =	sadd.s32 s28, s29;
	v6 =	vld [tilespmem:s25+$0x430];
	[tilespmem:s26+$0x10] =	vst v5;
	s28 =	smov.u32 s27  }
0x41: {  	v5 =	vld.idx.msk [tilespmem:v0+s29+$0x400 ss:$0x1], $0xffff;
	[tilespmem:s26+$0x20] =	vst v3  }
0x42: {  	v3 =	vld [tilespmem:s25+$0xFFFFFFE0];
	[tilespmem:s26+$0x30] =	vst v4  }
0x43: {  	v4 =	vld [tilespmem:s25+$0xFFFFFFF0];
	[tilespmem:s26+$0xFFFFFBF0] =	vst v7  }
0x44: {  	v7 =	vld [tilespmem:s25+$0x0];
	[tilespmem:s26+$0x40] =	vst v1  }
0x45: {  	v1 =	vld [tilespmem:s25+$0x10];
	[tilespmem:s26+$0x50] =	vst v2;
	s26 =	sadd.s32 $0x800, s26  }
0x46: {  	s24 =	sadd.s32 $0x800, s24;
	v2 =	vld [tilespmem:s25+$0x20];
	[tilespmem:s26+$0x60] =	vst v6  }
0x47: {  	v9 =	vld [tilespmem:s25+$0x30];
	[tilespmem:s24+$0x0] =	vst v5  }
0x48: {  	[tilespmem:s26+$0xFFFFFC00] =	vst v8;
	v6 =	vld [tilespmem:s25+$0x3D0]  }
0x49: {  	[tilespmem:s26+$0xFFFFFC10] =	vst v3;
	v5 =	vld [tilespmem:s25+$0x3E0]  }
.Ltmp3:
0x4a: {  	[tilespmem:s26+$0xFFFFFC20] =	vst v4;
	v3 =	vld [tilespmem:s25+$0x3F0];
	(pc) =	sbr.rel @p2 .LBB1_4-.Ltmp3, $4  }
0x4b: {  	[tilespmem:s26+$0xFFFFFC30] =	vst v7;
	v4 =	vld [tilespmem:s25+$0x400]  }
0x4c: {  	[tilespmem:s26+$0xFFFFFC40] =	vst v1;
	v1 =	vld [tilespmem:s25+$0x410]  }
0x4d: {  	[tilespmem:s26+$0xFFFFFC50] =	vst v2;
	v2 =	vld [tilespmem:s25+$0x420]  }
0x4e: {  	s27 =	sadd.s32 $0x80, s27;
	s29 =	sand.u32 $0x300, s28;
	v7 =	vld [tilespmem:s25+$0xFFFFFFC0];
	[tilespmem:s26+$0xFFFFFC60] =	vst v9;
	s25 =	sadd.s32 $0x80, s25  }
0x4f: {  	[tilespmem:s26+$0x0] =	vst v6  }
0x50: {  	[tilespmem:s26+$0x10] =	vst v5  }
0x51: {  	v49 =	vld [tilespmem:s25+$0x430];
	[tilespmem:s26+$0x20] =	vst v3  }
0x52: {  	v50 =	vld [tilespmem:s25+$0xFFFFFFD0];
	[tilespmem:s26+$0x30] =	vst v4  }
0x53: {  	v51 =	vld [tilespmem:s25+$0xFFFFFFE0];
	[tilespmem:s26+$0x40] =	vst v1  }
0x54: {  	v52 =	vld [tilespmem:s25+$0xFFFFFFF0];
	[tilespmem:s26+$0x50] =	vst v2  }
0x55: {  	s31 =	sadd.s32 $0x800, s26;
	v53 =	vld [tilespmem:s25+$0x0];
	[tilespmem:s26+$0xFFFFFBF0] =	vst v7  }
0x56: {  	v54 =	vld [tilespmem:s25+$0x10];
	[tilespmem:s31+$0x60] =	vst v49  }
0x57: {  	v55 =	vld [tilespmem:s25+$0x20];
	[tilespmem:s31+$0xFFFFFC00] =	vst v50  }
0x58: {  	v56 =	vld [tilespmem:s25+$0x30];
	[tilespmem:s31+$0xFFFFFC10] =	vst v51  }
0x59: {  	v57 =	vld [tilespmem:s25+$0x3D0];
	[tilespmem:s31+$0xFFFFFC20] =	vst v52  }
0x5a: {  	v58 =	vld [tilespmem:s25+$0x3E0];
	[tilespmem:s31+$0xFFFFFC30] =	vst v53  }
0x5b: {  	v59 =	vld [tilespmem:s25+$0x3F0];
	[tilespmem:s31+$0xFFFFFC40] =	vst v54  }
0x5c: {  	v60 =	vld [tilespmem:s25+$0x400];
	[tilespmem:s31+$0xFFFFFC50] =	vst v55  }
0x5d: {  	v61 =	vld [tilespmem:s25+$0xFFFFFFC0];
	[tilespmem:s31+$0xFFFFFC60] =	vst v56  }
0x5e: {  	s27 =	sand.u32 $0x80, s28;
	s30 =	sadd.s32 s29, s19;
	v62 =	vld [tilespmem:s25+$0x410];
	[tilespmem:s31+$0x0] =	vst v57  }
0x5f: {  	v63 =	vld [tilespmem:s25+$0x420];
	s23 =	sadd.s32 $0x1, s23;
	s27 =	sadd.s32 s27, s30;
	[tilespmem:s31+$0x10] =	vst v58  }
0x60: {  	p2 =	sne.s32 s23, $0x8;
	v0 =	vld.idx.msk [tilespmem:v0+s27+$0x400 ss:$0x1], $0xffff;
	[tilespmem:s31+$0x20] =	vst v59  }
.Ltmp4:
0x61: {  	[tilespmem:s31+$0x30] =	vst v60;
	(pc) =	sbr.rel @p2 .LBB1_3-.Ltmp4, $4  }
0x62: {  	[tilespmem:s31+$0xFFFFFBF0] =	vst v61  }
0x63: {  	[tilespmem:s31+$0x40] =	vst v62  }
0x64: {  	s24 =	sadd.s32 $0x800, s24;
	s17 =	sadd.s32 $0x800, s17;
	[tilespmem:s31+$0x50] =	vst v63  }
0x65: {  	s22 =	sadd.s32 $0x80, s22;
	p1 =	por !p1, !p1;
	s18 =	sadd.s32 $0x80, s18;
	[tilespmem:s24+$0x0] =	vst v0  }
0x66: {  	s17 =	sand.u32 $0x78, s12;
	s18 =	sshll.u32 s15, $0x7;
	s28 =	sshll.u32 s15, $0xB  }
0x67: {  	s19 =	sshll.u32 s12, $0x3;
	s14 =	sshll.u32 s14, $0xF;
	s13 =	sshll.u32 s13, $0xC  }
0x68: {  	s30 =	sand.u32 $0x7, s12;
	s18 =	sand.u32 $0x380, s18;
	s15 =	sand.u32 $0x4000, s28  }
0x69: {  	s29 =	sand.u32 $0x400, s19;
	s14 =	sadd.s32 s3, s14;
	s15 =	sadd.s32 s15, s19  }
.Ltmp5:
0x6a: {  	s17 =	sor.u32 s18, s17;
	s15 =	sshrl.u32 s15, $0x3;
	(pc) =	sbr.rel .LBB1_7-.Ltmp5, $4  }
0x6b: {  	s13 =	sadd.s32 s13, s14;
	s17 =	sor.u32 s29, s17;
	s15 =	sand.u32 $0xF00, s15  }
0x6c: {  	s12 =	sshll.u32 s30, $0x12;
	s31 =	sshrl.u32 s17, $0x3;
	s13 =	sadd.s32 s15, s13  }
0x6d: {  	s12 =	sor.u32 $0x800, s12;
	s13 =	sadd.s32 s31, s13  }
0x6e: {  	[hbm4b:s13+s12] =	stream.strided.scatter [tilespmem:s16], [sflag:$0x2], $0x4000, s6, s12, $0x38;
	[tilespmem:$0x10000] =	vst v63  }
.LBB1_8:
0x6f: {  	_ =	sfence.sel $0x180000  }
0x70: {  	s2 =	simm.s32 $0x1;
	[bflag:$0x0] =	sbarrier.arrive $0xFFFF  }
0x71: {  	s31 =	simm.s32 $0x2;
	[sflag:s2] =	ssyncpa.u1 $0x1  }
0x72: {  	[sflag:s31] =	ssyncpa.u1 $0x1  }
0x73: {  	p0 =	sne.s32 s1, $0x0;
	_ =	strace $0x9000004A  }
0x74: {  	s0 =	sadd.s32 @!p0 $0x100000, s0;
	[bflag:$0x2] =	sbarrier.arrive $0xFFFF  }
0x75: {  	[sflag:s0] =	ssyncadd.tile.s32 @!p0 $0x1;
	_ =	shalt  }
.Lfunc_end1:
_tile_overlayer_lowered:
.L_overlay_start_2:
0x76: {  	(tag) =	ssettag $0x2  }
0x77: {  	s0 =	rddreg [dreg:$0x0];
	s2 =	stileid.u32  }
0x78: {  	s1 =	rddreg [dreg:$0x1];
	p0 =	sne.s32 s2, $0x0  }
0x79: {  	s3 =	rddreg [dreg:$0x2];
	[bflag:$0x3] =	sbarrier.arrive $0xFFFF;
	s2 =	simm.s32 @!p0 $0x1C01  }
0x7a: {  	[timem:s3], [sflag:s2] =	dma.local @!p0 [hbm:s0], s1  }
0x7b: {  	s0 =	simm.s32 @!p0 $0x1  }
0x7c: {  	_ =	swait.ge @!p0 [sflag:s0], s1  }
0x7d: {  	s1 =	ssub.s32 @!p0 $0x0, s1;
	[sflag:s0] =	ssyncset.done @!p0 $0x0  }
0x7e: {  	[sflag:s0] =	ssyncadd.s32 @!p0 s1  }
0x7f: {  	[bflag:$0x3] =	sbarrier.arrive $0xFFFF  }
0x80: {  	_ =	shalt  }

// kernel: sparse-core-data-format-call.cloned.1.call-start
scs
called_computation_lowered:
.L_overlay_start_0:
0x0: {  	s2 =	sld [smem:$0x3FD9]  }
0x1: {  	s3 =	sld [smem:$0x3FFE];
	_ =	sdelay $0x1  }
0x2: {  	s1 =	srdreg.scid  }
0x3: {  	s0 =	sand.u32 $0x1, s1  }
0x4: {  	s18 =	sshll.u32 s0, $0xA;
	s2 =	sadd.s32 s3, s2  }
0x5: {  	s2 =	sadd.s32 s2, s18  }
0x6: {  	[smem:$0x3FC6] =	sst s2  }
0x7: {  	_ = 	snop  }
0x8: {  	s2 =	sld [smem:$0x3FD0];
	(tm) =	ssettm $0x1  }
0x9: {  	s19 =	sld [smem:$0x3FFB];
	_ =	sdelay $0x3  }
0xa: {  	_ =	strace s19  }
0xb: {  	s3 =	sld [smem:$0x3FFC];
	_ =	sdelay $0x3  }
0xc: {  	_ =	strace s3  }
0xd: {  	s3 =	sld [smem:$0x3FFD];
	_ =	sdelay $0x3  }
0xe: {  	_ =	strace s3  }
0xf: {  	_ =	strace $0x8FFFFFFF  }
0x10: {  	s20 =	sld [smem:$0x3FDB];
	_ =	sdelay $0x1  }
0x11: {  	s4 =	simm.s32 $_scs_section_size  }
0x12: {  	s5 =	simm.s32 $_size__tile_overlayer_lowered;
	s6 =	simm.s32 $_tile_overlayer_lowered  }
0x13: {  	s23 =	simm.s32 $0x1BFF;
	s22 =	sshll.u32 s6, $0x1;
	s3 =	sadd.s32 s4, s20  }
0x14: {  	s7 =	simm.s32 $0x0;
	s21 =	sshll.u32 s5, $0x1;
	s5 =	sadd.s32 s22, s3  }
0x15: {  	[timem:s7], [sflag:s23] =	dma.local [hbm:s5], s21  }
0x16: {  	_ =	swait.ge [sflag:s23], s21  }
0x17: {  	s4 =	ssub.s32 $0x0, s21;
	[sflag:s23] =	ssyncset.done $0x0  }
0x18: {  	[sflag:s23] =	ssyncadd.s32 s4;
	_ =	sdelay $0x1  }
0x19: {  	s24 =	simm.s32 $0x1B8B  }
0x1a: {  	_ =	swait.ge [sflag:s24], $0x1  }
0x1b: {  	[sflag:s24] =	ssyncset.done $0x0  }
0x1c: {  	s26 =	simm.s32 $0x1B8E;
	s25 =	sld [smem:$0x3FFE];
	[sflag:s24] =	ssyncadd.s32 $0xFFFFFFFF  }
0x1d: {  	s27 =	simm.s32 $execute0_lowered;
	[smem:$0x3FD2] =	sst s26  }
0x1e: {  	s5 =	sshll.u32 s27, $0x1;
	_ =	strace $0x8000004C;
	[dreg:$0x1] =	wrdreg $0xFFFFFFFF  }
0x1f: {  	s28 =	simm.s32 $_size_execute0_lowered;
	s3 =	sadd.s32 s3, s5;
	[dreg:$0x0] =	wrdreg $0x0  }
0x20: {  	s5 =	sshll.u32 s28, $0x1;
	[dreg:$0x2] =	wrdreg s3  }
0x21: {  	[dreg:$0x3] =	wrdreg s5  }
0x22: {  	[dreg:$0x4] =	wrdreg $0xC0  }
0x23: {  	_ =	task [dreg:s7], $0x5FFFF  }
0x24: {  	[dreg:$0x1] =	wrdreg $0xFFFFFFFF  }
0x25: {  	[dreg:$0x0] =	wrdreg $0x60  }
0x26: {  	[dreg:$0x2] =	wrdreg s25  }
0x27: {  	[dreg:$0x3] =	wrdreg s2  }
0x28: {  	[dreg:$0x4] =	wrdreg $0x9  }
0x29: {  	_ =	task.clear_ibuf [dreg:s7], $0x5FFFF;
	_ =	strace $0x9000004C  }
0x2a: {  	s29 =	simm.s32 $0x9;
	_ =	strace $0x8000004E  }
0x2b: {  	_ =	swait.ge [sflag:s29], $0x1  }
0x2c: {  	[sflag:s29] =	ssyncadd.s32 $0xFFFFFFFF  }
0x2d: {  	_ =	strace $0x9000004E  }
0x2e: {  	_ =	sfence  }
0x2f: {  	s30 =	sld [smem:$0x0];
	_ =	sdelay $0x2  }
0x30: {  	s31 =	sshll.u32 s1, $0xD;
	s1 =	sshrl.u32 s1, $0x2  }
0x31: {  	s3 =	sand.u32 $0x4000, s31;
	s1 =	sadd.s32 s1, s30  }
0x32: {  	s0 =	sor.u32 s3, s0;
	s1 =	sshll.u32 s1, $0x11  }
0x33: {  	s0 =	sor.u32 s1, s0  }
0x34: {  	s0 =	sadd.s32 $0x8F2B, s0  }
0x35: {  	[sflag:s0] =	ssyncadd.remote.s32 $0x1  }
0x36: {  	_ =	sfence.sel $0xFFFF  }
0x37: {  	[dreg:$0x0] =	wrdreg $0xFFFFFFFF;
	(pc) =	sbr.abs _section_cstart, $3  }
0x38: {  	[dreg:$0x1] =	wrdreg $0xFFFFFFFF  }
0x39: {  	_ =	task.clear_ibuf [dreg:s7], $0x2FFFF;
	_ =	strace $0x9FFFFFFF  }
0x3a: {  	(tm) =	ssettm $0x7FFFFFFF  }
0x3b: {  	_ =	shalt  }
tec
execute0_lowered:
.L_overlay_start_1:
0x0: {  	(tag) =	ssettag $0x1  }
0x1: {  	s1 =	rddreg [dreg:$0x0]  }
0x2: {  	s2 =	rddreg [dreg:$0x1]  }
0x3: {  	s0 =	rddreg [dreg:$0x2]  }
0x4: {  	_ =	strace $0x8000004D;
	s4 =	srdreg.scid;
	s6 =	simm.s32 $0x2  }
0x5: {  	s12 =	simm.s32 $0x0;
	p0 =	por $0x0, $0x0;
	s13 =	simm.s32 $0x0  }
0x6: {  	s15 =	simm.s32 $0x0;
	s14 =	simm.s32 $0x0;
	s8 =	simm.s32 $0x0  }
.Ltmp0:
0x7: {  	s9 =	simm.s32 $0x0;
	s10 =	simm.s32 $0x0;
	(pc) =	sbr.rel .LBB1_1-.Ltmp0, $4  }
0x8: {  	s7 =	simm.s32 $0x0;
	s3 =	sadd.s32 $0xC00, s1;
	s5 =	sshll.u32 s4, $0x4  }
0x9: {  	s1 =	stileid.u32;
	s4 =	simm.s32 $0x1;
	s5 =	sand.u32 $0x10, s5  }
0xa: {  	s21 =	simm.s32 $0x0;
	[sflag:s4] =	ssyncpa.u1 $0x0;
	s5 =	sor.u32 s1, s5  }
0xb: {  	[sflag:s6] =	ssyncpa.u1 $0x0;
	s6 =	simm.s32 $0x200000;
	s11 =	smov.u32 s5  }
.LBB1_7:
0xc: {  	s16 =	sadd.s32 $0x100, s8  }
0xd: {  	s12 =	sadd.s32 $0x8, s9;
	s17 =	smov.u32 s9;
	p2 =	sgt.s32 s16, $0x7FF  }
0xe: {  	s17 =	smov.u32 @p2 s12  }
0xf: {  	s18 =	smov.u32 s10;
	s12 =	sadd.s32 $0x8, s10;
	p3 =	sgt.s32 s17, $0xF  }
0x10: {  	s18 =	smov.u32 @p3 s12  }
0x11: {  	s19 =	smov.u32 s11;
	s12 =	sadd.s32 $0x20, s11;
	p4 =	sgt.s32 s18, $0x1F  }
0x12: {  	p1 =	slt.u32 s7, $0x2;
	s19 =	smov.u32 @p4 s12  }
0x13: {  	s7 =	sadd.s32 $0x1, s7;
	s16 =	simm.s32 @p2 $0x0;
	p2 =	sgt.s32 s19, $0x1F  }
0x14: {  	s20 =	simm.s32 @!p1 $0x2;
	s19 =	smov.u32 @p2 s5;
	p2 =	sne.s32 s7, $0x42  }
.Ltmp1:
0x15: {  	s13 =	smov.u32 s9;
	_ =	swait.ge @!p1 [sflag:s20], $0x4000;
	(pc) =	sbr.rel @!p2 .LBB1_8-.Ltmp1, $4  }
0x16: {  	s15 =	smov.u32 s10;
	s14 =	smov.u32 s11;
	[sflag:s20] =	ssyncset.done @!p1 $0x0  }
0x17: {  	p0 =	por !p0, !p0;
	s17 =	simm.s32 @p3 $0x0;
	[sflag:s20] =	ssyncadd.s32 @!p1 $0xFFFFC000  }
0x18: {  	s9 =	smov.u32 s17;
	s18 =	simm.s32 @p4 $0x0;
	s12 =	smov.u32 s8  }
0x19: {  	s8 =	smov.u32 s16;
	s10 =	smov.u32 s18;
	s11 =	smov.u32 s19  }
.LBB1_1:
0x1a: {  	p1 =	sgt.u32 s7, $0x3F  }
0x1b: {  	s16 =	sxor.u32 @!p1 $0xFFFFFFFF, s7;
	s17 =	sand.u32 @!p1 $0x78, s8  }
0x1c: {  	s18 =	sshll.u32 @!p1 s9, $0x7;
	s19 =	sshll.u32 @!p1 s9, $0xB;
	s20 =	sshll.u32 @!p1 s8, $0x3  }
0x1d: {  	s16 =	sshll.u32 @!p1 s16, $0xE;
	s18 =	sand.u32 @!p1 $0x380, s18;
	s19 =	sand.u32 @!p1 $0x4000, s19  }
0x1e: {  	s16 =	sand.u32 @!p1 $0x4000, s16;
	s17 =	sor.u32 @!p1 s18, s17;
	s18 =	sand.u32 @!p1 $0x400, s20  }
0x1f: {  	s19 =	sadd.s32 @!p1 s19, s20;
	s17 =	sor.u32 @!p1 s18, s17;
	s18 =	sshll.u32 @!p1 s11, $0x11  }
0x20: {  	s20 =	sshll.u32 @!p1 s10, $0xC;
	s19 =	sshrl.u32 @!p1 s19, $0x3;
	s18 =	sadd.s32 @!p1 s3, s18  }
0x21: {  	s19 =	sand.u32 @!p1 $0xF00, s19;
	s18 =	sadd.s32 @!p1 s20, s18;
	s20 =	sand.u32 @!p1 $0x7, s8  }
0x22: {  	s17 =	sshrl.u32 @!p1 s17, $0x3;
	s18 =	sadd.s32 @!p1 s19, s18;
	s19 =	sshll.u32 @!p1 s20, $0x12  }
0x23: {  	s17 =	sadd.s32 @!p1 s17, s18;
	s18 =	sor.u32 @!p1 $0x800, s19;
	s19 =	simm.s32 @!p1 $0x8000  }
0x24: {  	[tilespmem:s16], [sflag:$0x1] =	stream.strided.gather @!p1 [hbm4b:s17+s18], $0x4000, s19, s18, $0x38;
	[tilespmem:$0x10000] =	vst v63  }
0x25: {  	p1 =	seq.s32 s7, $0x0  }
0x26: {  	p2 =	seq.s32 @!p1 s7, $0x41  }
0x27: {  	p1 =	por p1, p2  }
.Ltmp2:
0x28: {  	_ = 	snop;
	(pc) =	sbr.rel @p1 .LBB1_7-.Ltmp2, $1  }
0x29: {  	_ =	sdelay $0x3  }
0x2a: {  	s16 =	simm.s32 $0x1  }
0x2b: {  	_ =	swait.ge [sflag:s4], $0x4000;
	s31 =	sshll.u32 s7, $0xE;
	p1 =	por $0x0, $0x0  }
0x2c: {  	s22 =	simm.s32 $0x0;
	s23 =	simm.s32 $0x0;
	s16 =	simm.s32 @!p0 $0x0  }
0x2d: {  	[sflag:s4] =	ssyncset.done $0x0;
	s19 =	sand.u32 $0x4000, s31;
	s16 =	sshll.u32 s16, $0x10  }
0x2e: {  	[sflag:s4] =	ssyncadd.s32 $0xFFFFC000;
	s20 =	sshrl.u32 s16, $0x2;
	s16 =	sor.u32 $0x8000, s19  }
0x2f: {  	s17 =	sor.u32 $0x40, s20;
	s18 =	sor.u32 $0x8410, s20;
	s20 =	sadd.s32 $0x8400, s20  }
.LBB1_3:
0x30: {  	v1 =	vld [tilespmem:s17+$0xFFFFFFD0]  }
0x31: {  	v2 =	vld [tilespmem:s17+$0x430]  }
0x32: {  	s24 =	sshll.u32 s23, $0xB;
	v4 =	vld [tilespmem:s17+$0xFFFFFFE0]  }
0x33: {  	v7 =	vld [tilespmem:s17+$0xFFFFFFF0];
	v0 =	vmov s24  }
0x34: {  	v8 =	vld [tilespmem:s17+$0x0]  }
0x35: {  	s30 =	sand.u32 $0x300, s21;
	v9 =	vld [tilespmem:s17+$0x10]  }
0x36: {  	s25 =	sand.u32 $0x80, s21;
	v10 =	vld [tilespmem:s17+$0x20];
	s24 =	sadd.s32 s30, s19  }
0x37: {  	v11 =	vld [tilespmem:s17+$0x30];
	s24 =	sadd.s32 s25, s24;
	s25 =	simm.s32 $0x1;
	[tilespmem:s18+$0x60] =	vst v2  }
0x38: {  	s31 =	sshll.u32 s22, $0x2;
	s25 =	simm.s32 @!p1 $0x0;
	[tilespmem:s18+$0xFFFFFC00] =	vst v1;
	v3 =	vld.idx.msk [tilespmem:v0+s24+$0x400 ss:$0x1], $0xffff  }
0x39: {  	v6 =	vld [tilespmem:s17+$0x3D0];
	s25 =	sshll.u32 s25, $0x9;
	[tilespmem:s18+$0xFFFFFC10] =	vst v4;
	s24 =	sand.u32 $0xFFFFFC00, s31  }
0x3a: {  	v5 =	vld [tilespmem:s17+$0x3E0];
	[tilespmem:s18+$0xFFFFFC20] =	vst v7;
	s24 =	sor.u32 s25, s24  }
0x3b: {  	[tilespmem:s18+$0xFFFFFC30] =	vst v8;
	v4 =	vld [tilespmem:s17+$0x400];
	s24 =	sshrl.u32 s24, $0x2  }
0x3c: {  	[tilespmem:s18+$0xFFFFFC40] =	vst v9;
	v1 =	vld [tilespmem:s17+$0x410];
	s24 =	sadd.s32 s24, s20  }
0x3d: {  	[tilespmem:s24+$0x0] =	vst v3;
	v3 =	vld [tilespmem:s17+$0x3F0]  }
0x3e: {  	s28 =	simm.s32 $0x80;
	s27 =	simm.s32 $0x100;
	[tilespmem:s18+$0xFFFFFC50] =	vst v10;
	v2 =	vld [tilespmem:s17+$0x420]  }
0x3f: {  	s26 =	smov.u32 s18;
	s29 =	sand.u32 $0x300, s28;
	v7 =	vld [tilespmem:s17+$0xFFFFFFC0];
	[tilespmem:s18+$0xFFFFFC60] =	vst v11;
	s25 =	sadd.s32 $0x80, s17  }
.LBB1_4:
0x40: {  	p2 =	sne.s32 s27, $0x380;
	v8 =	vld [tilespmem:s25+$0xFFFFFFD0];
	s28 =	sand.u32 $0x80, s28;
	s29 =	sadd.s32 s29, s19;
	[tilespmem:s26+$0x0] =	vst v6  }
0x41: {  	s29 =	sadd.s32 s28, s29;
	v6 =	vld [tilespmem:s25+$0x430];
	[tilespmem:s26+$0x10] =	vst v5;
	s28 =	smov.u32 s27  }
0x42: {  	v5 =	vld.idx.msk [tilespmem:v0+s29+$0x400 ss:$0x1], $0xffff;
	[tilespmem:s26+$0x20] =	vst v3  }
0x43: {  	v3 =	vld [tilespmem:s25+$0xFFFFFFE0];
	[tilespmem:s26+$0x30] =	vst v4  }
0x44: {  	v4 =	vld [tilespmem:s25+$0xFFFFFFF0];
	[tilespmem:s26+$0xFFFFFBF0] =	vst v7  }
0x45: {  	v7 =	vld [tilespmem:s25+$0x0];
	[tilespmem:s26+$0x40] =	vst v1  }
0x46: {  	v1 =	vld [tilespmem:s25+$0x10];
	[tilespmem:s26+$0x50] =	vst v2;
	s26 =	sadd.s32 $0x800, s26  }
0x47: {  	s24 =	sadd.s32 $0x800, s24;
	v2 =	vld [tilespmem:s25+$0x20];
	[tilespmem:s26+$0x60] =	vst v6  }
0x48: {  	v9 =	vld [tilespmem:s25+$0x30];
	[tilespmem:s24+$0x0] =	vst v5  }
0x49: {  	[tilespmem:s26+$0xFFFFFC00] =	vst v8;
	v6 =	vld [tilespmem:s25+$0x3D0]  }
0x4a: {  	[tilespmem:s26+$0xFFFFFC10] =	vst v3;
	v5 =	vld [tilespmem:s25+$0x3E0]  }
.Ltmp3:
0x4b: {  	[tilespmem:s26+$0xFFFFFC20] =	vst v4;
	v3 =	vld [tilespmem:s25+$0x3F0];
	(pc) =	sbr.rel @p2 .LBB1_4-.Ltmp3, $4  }
0x4c: {  	[tilespmem:s26+$0xFFFFFC30] =	vst v7;
	v4 =	vld [tilespmem:s25+$0x400]  }
0x4d: {  	[tilespmem:s26+$0xFFFFFC40] =	vst v1;
	v1 =	vld [tilespmem:s25+$0x410]  }
0x4e: {  	[tilespmem:s26+$0xFFFFFC50] =	vst v2;
	v2 =	vld [tilespmem:s25+$0x420]  }
0x4f: {  	s27 =	sadd.s32 $0x80, s27;
	s29 =	sand.u32 $0x300, s28;
	v7 =	vld [tilespmem:s25+$0xFFFFFFC0];
	[tilespmem:s26+$0xFFFFFC60] =	vst v9;
	s25 =	sadd.s32 $0x80, s25  }
0x50: {  	[tilespmem:s26+$0x0] =	vst v6  }
0x51: {  	[tilespmem:s26+$0x10] =	vst v5  }
0x52: {  	v49 =	vld [tilespmem:s25+$0x430];
	[tilespmem:s26+$0x20] =	vst v3  }
0x53: {  	v50 =	vld [tilespmem:s25+$0xFFFFFFD0];
	[tilespmem:s26+$0x30] =	vst v4  }
0x54: {  	v51 =	vld [tilespmem:s25+$0xFFFFFFE0];
	[tilespmem:s26+$0x40] =	vst v1  }
0x55: {  	v52 =	vld [tilespmem:s25+$0xFFFFFFF0];
	[tilespmem:s26+$0x50] =	vst v2  }
0x56: {  	s31 =	sadd.s32 $0x800, s26;
	v53 =	vld [tilespmem:s25+$0x0];
	[tilespmem:s26+$0xFFFFFBF0] =	vst v7  }
0x57: {  	v54 =	vld [tilespmem:s25+$0x10];
	[tilespmem:s31+$0x60] =	vst v49  }
0x58: {  	v55 =	vld [tilespmem:s25+$0x20];
	[tilespmem:s31+$0xFFFFFC00] =	vst v50  }
0x59: {  	v56 =	vld [tilespmem:s25+$0x30];
	[tilespmem:s31+$0xFFFFFC10] =	vst v51  }
0x5a: {  	v57 =	vld [tilespmem:s25+$0x3D0];
	[tilespmem:s31+$0xFFFFFC20] =	vst v52  }
0x5b: {  	v58 =	vld [tilespmem:s25+$0x3E0];
	[tilespmem:s31+$0xFFFFFC30] =	vst v53  }
0x5c: {  	v59 =	vld [tilespmem:s25+$0x3F0];
	[tilespmem:s31+$0xFFFFFC40] =	vst v54  }
0x5d: {  	v60 =	vld [tilespmem:s25+$0x400];
	[tilespmem:s31+$0xFFFFFC50] =	vst v55  }
0x5e: {  	v61 =	vld [tilespmem:s25+$0xFFFFFFC0];
	[tilespmem:s31+$0xFFFFFC60] =	vst v56  }
0x5f: {  	s27 =	sand.u32 $0x80, s28;
	s30 =	sadd.s32 s29, s19;
	v62 =	vld [tilespmem:s25+$0x410];
	[tilespmem:s31+$0x0] =	vst v57  }
0x60: {  	v63 =	vld [tilespmem:s25+$0x420];
	s23 =	sadd.s32 $0x1, s23;
	s27 =	sadd.s32 s27, s30;
	[tilespmem:s31+$0x10] =	vst v58  }
0x61: {  	p2 =	sne.s32 s23, $0x8;
	v0 =	vld.idx.msk [tilespmem:v0+s27+$0x400 ss:$0x1], $0xffff;
	[tilespmem:s31+$0x20] =	vst v59  }
.Ltmp4:
0x62: {  	[tilespmem:s31+$0x30] =	vst v60;
	(pc) =	sbr.rel @p2 .LBB1_3-.Ltmp4, $4  }
0x63: {  	[tilespmem:s31+$0xFFFFFBF0] =	vst v61  }
0x64: {  	[tilespmem:s31+$0x40] =	vst v62  }
0x65: {  	s24 =	sadd.s32 $0x800, s24;
	s17 =	sadd.s32 $0x800, s17;
	[tilespmem:s31+$0x50] =	vst v63  }
0x66: {  	s22 =	sadd.s32 $0x80, s22;
	p1 =	por !p1, !p1;
	s18 =	sadd.s32 $0x80, s18;
	[tilespmem:s24+$0x0] =	vst v0  }
0x67: {  	s17 =	sand.u32 $0x78, s12;
	s18 =	sshll.u32 s15, $0x7;
	s28 =	sshll.u32 s15, $0xB  }
0x68: {  	s19 =	sshll.u32 s12, $0x3;
	s14 =	sshll.u32 s14, $0xD;
	s13 =	sshll.u32 s13, $0x12  }
0x69: {  	s30 =	sand.u32 $0x7, s12;
	s18 =	sand.u32 $0x380, s18;
	s15 =	sand.u32 $0xC000, s28  }
0x6a: {  	s29 =	sand.u32 $0x400, s19;
	s14 =	sadd.s32 s2, s14;
	s15 =	sadd.s32 s15, s19  }
.Ltmp5:
0x6b: {  	s17 =	sor.u32 s18, s17;
	s15 =	sshrl.u32 s15, $0x3;
	(pc) =	sbr.rel .LBB1_7-.Ltmp5, $4  }
0x6c: {  	s13 =	sadd.s32 s13, s14;
	s17 =	sor.u32 s29, s17;
	s15 =	sand.u32 $0x1F00, s15  }
0x6d: {  	s12 =	sshll.u32 s30, $0x12;
	s31 =	sshrl.u32 s17, $0x3;
	s13 =	sadd.s32 s15, s13  }
0x6e: {  	s12 =	sor.u32 $0x800, s12;
	s13 =	sadd.s32 s31, s13  }
0x6f: {  	[hbm4b:s13+s12] =	stream.strided.scatter [tilespmem:s16], [sflag:$0x2], $0x4000, s6, s12, $0x38;
	[tilespmem:$0x10000] =	vst v63  }
.LBB1_8:
0x70: {  	_ =	sfence.sel $0x180000  }
0x71: {  	s2 =	simm.s32 $0x1;
	[bflag:$0x0] =	sbarrier.arrive $0xFFFF  }
0x72: {  	s31 =	simm.s32 $0x2;
	[sflag:s2] =	ssyncpa.u1 $0x1  }
0x73: {  	[sflag:s31] =	ssyncpa.u1 $0x1  }
0x74: {  	p0 =	sne.s32 s1, $0x0;
	_ =	strace $0x9000004D  }
0x75: {  	s0 =	sadd.s32 @!p0 $0x100000, s0;
	[bflag:$0x2] =	sbarrier.arrive $0xFFFF  }
0x76: {  	[sflag:s0] =	ssyncadd.tile.s32 @!p0 $0x1;
	_ =	shalt  }
.Lfunc_end1:
_tile_overlayer_lowered:
.L_overlay_start_2:
0x77: {  	(tag) =	ssettag $0x2  }
0x78: {  	s0 =	rddreg [dreg:$0x0];
	s2 =	stileid.u32  }
0x79: {  	s1 =	rddreg [dreg:$0x1];
	p0 =	sne.s32 s2, $0x0  }
0x7a: {  	s3 =	rddreg [dreg:$0x2];
	[bflag:$0x3] =	sbarrier.arrive $0xFFFF;
	s2 =	simm.s32 @!p0 $0x1C01  }
0x7b: {  	[timem:s3], [sflag:s2] =	dma.local @!p0 [hbm:s0], s1  }
0x7c: {  	s0 =	simm.s32 @!p0 $0x1  }
0x7d: {  	_ =	swait.ge @!p0 [sflag:s0], s1  }
0x7e: {  	s1 =	ssub.s32 @!p0 $0x0, s1;
	[sflag:s0] =	ssyncset.done @!p0 $0x0  }
0x7f: {  	[sflag:s0] =	ssyncadd.s32 @!p0 s1  }
0x80: {  	[bflag:$0x3] =	sbarrier.arrive $0xFFFF  }
0x81: {  	_ =	shalt  }

</sc_bundles>
